<compile_context>
chip_gen: v7x
topology: tpu7x:2x2x1
jax: 0.10.2.dev20260603
libtpu: 0.0.44.dev20260713+nightly
codegen_flags: <defaults>
</compile_context>

<pallas_src>
import functools

import jax
import jax.numpy as jnp
from jax import lax
from jax.experimental import pallas as pl
from jax.experimental.pallas import tpu as pltpu
from jax.experimental.pallas import tpu_sc as plsc

B, L, NCH = 4096, 200, 3
VOCAB = 14
N_EMB = 64
D_FEAT = 10
D_EMB = NCH * N_EMB
D_OUT = D_EMB + D_FEAT
P = B * L

NC, NS = 2, 16
NW = NC * NS
PW = P // NW
CHUNK = 256
NCHUNK = PW // CHUNK
GB = 128
NGB = CHUNK // GB
NPAIR = NCHUNK // 2


def _sc_kernel_body(fsrc_hbm, se_hbm, ftab_hbm, out_hbm,
                    fidx_v, emb_v, se_v, gsem, wsem0, wsem1):
    wid = lax.axis_index("s") * NC + lax.axis_index("c")

    def pair_body(t, carry):
        for b, wsem in ((0, wsem0), (1, wsem1)):
            g = 2 * t + b
            base = wid * PW + g * CHUNK

            @pl.when(t >= 1)
            def _():
                pltpu.make_async_copy(
                    out_hbm.at[pl.ds(0, CHUNK), pl.ds(0, D_EMB)],
                    emb_v.at[b], wsem).wait()
                pltpu.make_async_copy(
                    out_hbm.at[pl.ds(0, CHUNK), pl.ds(D_EMB, D_FEAT)],
                    se_v.at[b], wsem).wait()

            pltpu.sync_copy(fsrc_hbm.at[pl.ds(base // GB, NGB)],
                            fidx_v.at[b])
            copies = []
            for j in range(NGB):
                copies.append(
                    pltpu.async_copy(ftab_hbm.at[fidx_v.at[b, j]],
                                     emb_v.at[b, pl.ds(j * GB, GB)], gsem))
            copies.append(
                pltpu.async_copy(se_hbm.at[pl.ds(base, CHUNK)],
                                 se_v.at[b], gsem))
            for c in copies:
                c.wait()
            pltpu.async_copy(emb_v.at[b],
                             out_hbm.at[pl.ds(base, CHUNK), pl.ds(0, D_EMB)],
                             wsem)
            pltpu.async_copy(se_v.at[b],
                             out_hbm.at[pl.ds(base, CHUNK),
                                        pl.ds(D_EMB, D_FEAT)],
                             wsem)
        return carry

    lax.fori_loop(0, NPAIR, pair_body, 0)
    for b, wsem in ((0, wsem0), (1, wsem1)):
        pltpu.make_async_copy(out_hbm.at[pl.ds(0, CHUNK), pl.ds(0, D_EMB)],
                              emb_v.at[b], wsem).wait()
        pltpu.make_async_copy(out_hbm.at[pl.ds(0, CHUNK),
                                         pl.ds(D_EMB, D_FEAT)],
                              se_v.at[b], wsem).wait()


@jax.jit
def _fused_embed(fsrc, se2, ftab):
    mesh = plsc.VectorSubcoreMesh(core_axis_name="c", subcore_axis_name="s")
    return pl.kernel(
        _sc_kernel_body,
        out_type=jax.ShapeDtypeStruct((P, D_OUT), jnp.float32),
        mesh=mesh,
        scratch_types=[
            pltpu.VMEM((2, NGB, GB), jnp.int32),
            pltpu.VMEM((2, CHUNK, D_EMB), jnp.float32),
            pltpu.VMEM((2, CHUNK, D_FEAT), jnp.float32),
            pltpu.SemaphoreType.DMA,
            pltpu.SemaphoreType.DMA,
            pltpu.SemaphoreType.DMA,
        ],
        compiler_params=pltpu.CompilerParams(use_tc_tiling_on_sc=False),
    )(fsrc, se2, ftab)


def kernel(src, se, emb):
    src = src.astype(jnp.int32)
    fsrc = (src[..., 0] * (VOCAB * VOCAB) + src[..., 1] * VOCAB
            + src[..., 2]).reshape(P // GB, GB)
    ids = jnp.arange(VOCAB * VOCAB * VOCAB, dtype=jnp.int32)
    ftab = jnp.concatenate(
        [emb[ids // (VOCAB * VOCAB)], emb[(ids // VOCAB) % VOCAB],
         emb[ids % VOCAB]], axis=1)
    se2 = se.reshape(P, D_FEAT)
    out = _fused_embed(fsrc, se2, ftab)
    return out.reshape(B, L, D_OUT)

# --- scband reference (transcript-rebuilt; emitter-appended) ---
"""Pipeline reference for scband-fused-embedding-19086834663892 (READ-ONLY COPY).

The authoritative reference and input builder live on the scoring server;
editing this copy changes nothing except your own understanding.
"""

import jax, jax.numpy as jnp
import numpy as np

B, L, NCH = 4096, 200, 3
VOCAB = 14
N_EMB = 64
D_FEAT = 10

def setup_inputs(seed: int = 0) -> dict:
    key = jax.random.key(seed)
    k1, k2, k3 = jax.random.split(key, 3)
    src = jax.random.randint(k1, (B, L, NCH), 0, VOCAB, dtype=jnp.int64 if jax.config.jax_enable_x64 else jnp.int32)
    se = jax.random.normal(k2, (B, L, D_FEAT), dtype=jnp.float32)
    emb = jax.random.normal(k3, (VOCAB, N_EMB), dtype=jnp.float32) * 0.02
    return {"src": src, "se": se, "emb": emb}

def reference(src, se, emb):
    # src = src.long(); embed = self.emb(src)
    embed = jnp.take(emb, src, axis=0)  # [B, L, 3, n_emb]
    # embed.reshape((-1, L, 3 * n_emb))
    embed = embed.reshape((-1, embed.shape[1], embed.shape[2] * embed.shape[3]))
    embed = embed.astype(jnp.float32)
    # torch.cat((embed, se), 2)
    out = jnp.concatenate((embed, se), axis=2)  # [B, L, 3*n_emb + 10]
    return out

if __name__ == "__main__":
    import jax
    _d = setup_inputs()
    print(jax.jit(kernel)(*tuple(_d.values())))

</pallas_src>

<mosaic_0001>
#map = affine_map<(d0, d1) -> (0, 0)>
module attributes {stable_mosaic.version = 14 : i64} {
  func.func @_sc_kernel_body(%arg0: i32, %arg1: i32, %arg2: memref<6400x128xi32, #tpu.memory_space<hbm>>, %arg3: memref<819200x10xf32, #tpu.memory_space<hbm>>, %arg4: memref<2744x192xf32, #tpu.memory_space<hbm>>, %arg5: memref<819200x202xf32, #tpu.memory_space<hbm>>, %arg6: memref<2x2x128xi32, #tpu.memory_space<vmem>>, %arg7: memref<2x256x192xf32, #tpu.memory_space<vmem>>, %arg8: memref<2x256x10xf32, #tpu.memory_space<vmem>>, %arg9: memref<!tpu.dma_semaphore, #tpu.memory_space<semaphore_mem>>, %arg10: memref<!tpu.dma_semaphore, #tpu.memory_space<semaphore_mem>>, %arg11: memref<!tpu.dma_semaphore, #tpu.memory_space<semaphore_mem>>) attributes {dimension_semantics = [#tpu.dimension_semantics<core_parallel>, #tpu.dimension_semantics<subcore_parallel>], iteration_bounds = array<i64: 2, 16>, scalar_prefetch = 0 : i64, scratch_operands = 6 : i64, tpu.core_type = #tpu.core_type<sc_vector_subcore>, window_params = [{transform_indices = #map}, {transform_indices = #map}, {transform_indices = #map}, {transform_indices = #map}]} {
    %mul3A = arith.constant 2 : i32
    %mul3A_0 = arith.muli %arg1, %mul3A : i32
    %add3A = arith.addi %mul3A_0, %arg0 : i32
    %scan3A = arith.constant 0 : i32
    %scan3A_1 = arith.constant 0 : i32
    %scan3A_2 = arith.constant 50 : i32
    %scan3A_3 = arith.addi %scan3A_1, %scan3A_2 : i32
    %scan3A_4 = arith.constant 1 : i32
    scf.for %scan3A_65 = %scan3A_1 to %scan3A_3 step %scan3A_4  : i32 {
      %mul3A_66 = arith.constant 2 : i32
      %mul3A_67 = arith.muli %mul3A_66, %scan3A_65 : i32
      %add3A_68 = arith.constant 0 : i32
      %add3A_69 = arith.addi %mul3A_67, %add3A_68 : i32
      %mul3A_70 = arith.constant 25600 : i32
      %mul3A_71 = arith.muli %add3A, %mul3A_70 : i32
      %mul3A_72 = arith.constant 256 : i32
      %mul3A_73 = arith.muli %add3A_69, %mul3A_72 : i32
      %add3A_74 = arith.addi %mul3A_71, %mul3A_73 : i32
      %ge3A = arith.constant 1 : i32
      %ge3A_75 = arith.cmpi sge, %scan3A_65, %ge3A : i32
      %convert_element_type3A = arith.extui %ge3A_75 : i1 to i32
      %cond3A = arith.constant 0 : i32
      %cond3A_76 = arith.cmpi ne, %convert_element_type3A, %cond3A : i32
      scf.if %cond3A_76 {
        %dma_wait3A_339 = arith.constant 0 : i32
        %dma_wait3A_340 = arith.constant 0 : i32
        %dma_wait3A_341 = arith.constant 0 : i32
        %dma_wait3A_342 = tpu.memref_slice %arg7[%dma_wait3A_339, %dma_wait3A_340, %dma_wait3A_341] : memref<2x256x192xf32, #tpu.memory_space<vmem>> -> memref<1x256x192xf32, #tpu.memory_space<vmem>>
        %dma_wait3A_343 = tpu.memref_squeeze %dma_wait3A_342 : memref<1x256x192xf32, #tpu.memory_space<vmem>> -> memref<256x192xf32, #tpu.memory_space<vmem>>
        %dma_wait3A_344 = arith.constant 0 : i32
        %dma_wait3A_345 = arith.constant 0 : i32
        %dma_wait3A_346 = tpu.memref_slice %arg5[%dma_wait3A_344, %dma_wait3A_345] : memref<819200x202xf32, #tpu.memory_space<hbm>> -> memref<256x192xf32, #tpu.memory_space<hbm>>
        %dma_wait3A_347 = arith.constant 0 : i32
        %dma_wait3A_348 = arith.constant 0 : i32
        %dma_wait3A_349 = tpu.memref_slice %arg7[%dma_wait3A_339, %dma_wait3A_347, %dma_wait3A_348] : memref<2x256x192xf32, #tpu.memory_space<vmem>> -> memref<1x256x192xf32, #tpu.memory_space<vmem>>
        %dma_wait3A_350 = tpu.memref_squeeze %dma_wait3A_349 : memref<1x256x192xf32, #tpu.memory_space<vmem>> -> memref<256x192xf32, #tpu.memory_space<vmem>>
        %dma_wait3A_351 = arith.constant 0 : i32
        %dma_wait3A_352 = arith.constant 0 : i32
        %dma_wait3A_353 = tpu.memref_slice %arg5[%dma_wait3A_351, %dma_wait3A_352] : memref<819200x202xf32, #tpu.memory_space<hbm>> -> memref<256x192xf32, #tpu.memory_space<hbm>>
        tpu.wait_dma2 semaphore(%arg10 : memref<!tpu.dma_semaphore, #tpu.memory_space<semaphore_mem>>) src(%dma_wait3A_353 : memref<256x192xf32, #tpu.memory_space<hbm>>) dst(%dma_wait3A_350 : memref<256x192xf32, #tpu.memory_space<vmem>>)
        %dma_wait3A_354 = arith.constant 0 : i32
        %dma_wait3A_355 = arith.constant 0 : i32
        %dma_wait3A_356 = arith.constant 0 : i32
        %dma_wait3A_357 = tpu.memref_slice %arg8[%dma_wait3A_354, %dma_wait3A_355, %dma_wait3A_356] : memref<2x256x10xf32, #tpu.memory_space<vmem>> -> memref<1x256x10xf32, #tpu.memory_space<vmem>>
        %dma_wait3A_358 = tpu.memref_squeeze %dma_wait3A_357 : memref<1x256x10xf32, #tpu.memory_space<vmem>> -> memref<256x10xf32, #tpu.memory_space<vmem>>
        %dma_wait3A_359 = arith.constant 0 : i32
        %dma_wait3A_360 = arith.constant 192 : i32
        %dma_wait3A_361 = tpu.memref_slice %arg5[%dma_wait3A_359, %dma_wait3A_360] : memref<819200x202xf32, #tpu.memory_space<hbm>> -> memref<256x10xf32, #tpu.memory_space<hbm>>
        %dma_wait3A_362 = arith.constant 0 : i32
        %dma_wait3A_363 = arith.constant 0 : i32
        %dma_wait3A_364 = tpu.memref_slice %arg8[%dma_wait3A_354, %dma_wait3A_362, %dma_wait3A_363] : memref<2x256x10xf32, #tpu.memory_space<vmem>> -> memref<1x256x10xf32, #tpu.memory_space<vmem>>
        %dma_wait3A_365 = tpu.memref_squeeze %dma_wait3A_364 : memref<1x256x10xf32, #tpu.memory_space<vmem>> -> memref<256x10xf32, #tpu.memory_space<vmem>>
        %dma_wait3A_366 = arith.constant 0 : i32
        %dma_wait3A_367 = arith.constant 192 : i32
        %dma_wait3A_368 = tpu.memref_slice %arg5[%dma_wait3A_366, %dma_wait3A_367] : memref<819200x202xf32, #tpu.memory_space<hbm>> -> memref<256x10xf32, #tpu.memory_space<hbm>>
        tpu.wait_dma2 semaphore(%arg10 : memref<!tpu.dma_semaphore, #tpu.memory_space<semaphore_mem>>) src(%dma_wait3A_368 : memref<256x10xf32, #tpu.memory_space<hbm>>) dst(%dma_wait3A_365 : memref<256x10xf32, #tpu.memory_space<vmem>>)
      } else {
      }
      %jit3A = arith.constant 128 : i32
      %div3A = arith.divsi %add3A_74, %jit3A : i32
      %sign3A = arith.constant 0 : i32
      %sign3A_77 = arith.cmpi sgt, %add3A_74, %sign3A : i32
      %sign3A_78 = arith.extui %sign3A_77 : i1 to i32
      %sign3A_79 = arith.constant 0 : i32
      %sign3A_80 = arith.cmpi slt, %add3A_74, %sign3A_79 : i32
      %sign3A_81 = arith.extui %sign3A_80 : i1 to i32
      %sign3A_82 = arith.subi %sign3A_78, %sign3A_81 : i32
      %sign3A_83 = arith.constant 0 : i32
      %sign3A_84 = arith.cmpi sgt, %jit3A, %sign3A_83 : i32
      %sign3A_85 = arith.extui %sign3A_84 : i1 to i32
      %sign3A_86 = arith.constant 0 : i32
      %sign3A_87 = arith.cmpi slt, %jit3A, %sign3A_86 : i32
      %sign3A_88 = arith.extui %sign3A_87 : i1 to i32
      %sign3A_89 = arith.subi %sign3A_85, %sign3A_88 : i32
      %ne3A = arith.cmpi ne, %sign3A_82, %sign3A_89 : i32
      %rem3A = arith.remsi %add3A_74, %jit3A : i32
      %ne3A_90 = arith.constant 0 : i32
      %ne3A_91 = arith.cmpi ne, %rem3A, %ne3A_90 : i32
      %and3A = arith.andi %ne3A, %ne3A_91 : i1
      %sub3A = arith.constant 1 : i32
      %sub3A_92 = arith.subi %div3A, %sub3A : i32
      %select_n3A = arith.select %and3A, %sub3A_92, %div3A : i32
      %run_scoped3A = arith.constant 0 : i32
      "tpu.region"() ({
        %run_scoped3A_339 = tpu.sem_alloc : memref<!tpu.dma_semaphore, #tpu.memory_space<semaphore_mem>>
        %dma_start3A_340 = arith.constant 0 : i32
        %dma_start3A_341 = arith.constant 0 : i32
        %dma_start3A_342 = tpu.memref_slice %arg6[%run_scoped3A, %dma_start3A_340, %dma_start3A_341] : memref<2x2x128xi32, #tpu.memory_space<vmem>> -> memref<1x2x128xi32, #tpu.memory_space<vmem>>
        %dma_start3A_343 = tpu.memref_squeeze %dma_start3A_342 : memref<1x2x128xi32, #tpu.memory_space<vmem>> -> memref<2x128xi32, #tpu.memory_space<vmem>>
        %dma_start3A_344 = arith.constant 0 : i32
        %dma_start3A_345 = tpu.memref_slice %arg2[%select_n3A, %dma_start3A_344] : memref<6400x128xi32, #tpu.memory_space<hbm>> -> memref<2x128xi32, #tpu.memory_space<hbm>>
        %dma_start3A_346 = arith.constant 0 : i32
        %dma_start3A_347 = arith.constant 0 : i32
        %dma_start3A_348 = tpu.memref_slice %arg6[%run_scoped3A, %dma_start3A_346, %dma_start3A_347] : memref<2x2x128xi32, #tpu.memory_space<vmem>> -> memref<1x2x128xi32, #tpu.memory_space<vmem>>
        %dma_start3A_349 = tpu.memref_squeeze %dma_start3A_348 : memref<1x2x128xi32, #tpu.memory_space<vmem>> -> memref<2x128xi32, #tpu.memory_space<vmem>>
        %dma_start3A_350 = arith.constant 0 : i32
        %dma_start3A_351 = tpu.memref_slice %arg2[%select_n3A, %dma_start3A_350] : memref<6400x128xi32, #tpu.memory_space<hbm>> -> memref<2x128xi32, #tpu.memory_space<hbm>>
        tpu.enqueue_dma source(%dma_start3A_351 : memref<2x128xi32, #tpu.memory_space<hbm>>) target(%dma_start3A_349 : memref<2x128xi32, #tpu.memory_space<vmem>>) target_semaphore(%run_scoped3A_339 : memref<!tpu.dma_semaphore, #tpu.memory_space<semaphore_mem>>)
        %dma_wait3A_352 = arith.constant 0 : i32
        %dma_wait3A_353 = arith.constant 0 : i32
        %dma_wait3A_354 = tpu.memref_slice %arg6[%run_scoped3A, %dma_wait3A_352, %dma_wait3A_353] : memref<2x2x128xi32, #tpu.memory_space<vmem>> -> memref<1x2x128xi32, #tpu.memory_space<vmem>>
        %dma_wait3A_355 = tpu.memref_squeeze %dma_wait3A_354 : memref<1x2x128xi32, #tpu.memory_space<vmem>> -> memref<2x128xi32, #tpu.memory_space<vmem>>
        %dma_wait3A_356 = arith.constant 0 : i32
        %dma_wait3A_357 = tpu.memref_slice %arg2[%select_n3A, %dma_wait3A_356] : memref<6400x128xi32, #tpu.memory_space<hbm>> -> memref<2x128xi32, #tpu.memory_space<hbm>>
        %dma_wait3A_358 = arith.constant 0 : i32
        %dma_wait3A_359 = arith.constant 0 : i32
        %dma_wait3A_360 = tpu.memref_slice %arg6[%run_scoped3A, %dma_wait3A_358, %dma_wait3A_359] : memref<2x2x128xi32, #tpu.memory_space<vmem>> -> memref<1x2x128xi32, #tpu.memory_space<vmem>>
        %dma_wait3A_361 = tpu.memref_squeeze %dma_wait3A_360 : memref<1x2x128xi32, #tpu.memory_space<vmem>> -> memref<2x128xi32, #tpu.memory_space<vmem>>
        %dma_wait3A_362 = arith.constant 0 : i32
        %dma_wait3A_363 = tpu.memref_slice %arg2[%select_n3A, %dma_wait3A_362] : memref<6400x128xi32, #tpu.memory_space<hbm>> -> memref<2x128xi32, #tpu.memory_space<hbm>>
        tpu.wait_dma2 semaphore(%run_scoped3A_339 : memref<!tpu.dma_semaphore, #tpu.memory_space<semaphore_mem>>) src(%dma_wait3A_363 : memref<2x128xi32, #tpu.memory_space<hbm>>) dst(%dma_wait3A_361 : memref<2x128xi32, #tpu.memory_space<vmem>>)
        tpu.yield
      }) : () -> ()
      %dma_start3A = arith.constant 0 : i32
      %dma_start3A_93 = arith.constant 0 : i32
      %dma_start3A_94 = arith.constant 0 : i32
      %dma_start3A_95 = arith.constant 0 : i32
      %dma_start3A_96 = arith.constant 0 : i32
      %dma_start3A_97 = tpu.memref_slice %arg7[%dma_start3A_94, %dma_start3A_95, %dma_start3A_96] : memref<2x256x192xf32, #tpu.memory_space<vmem>> -> memref<1x128x192xf32, #tpu.memory_space<vmem>>
      %dma_start3A_98 = tpu.memref_squeeze %dma_start3A_97 : memref<1x128x192xf32, #tpu.memory_space<vmem>> -> memref<128x192xf32, #tpu.memory_space<vmem>>
      %dma_start3A_99 = arith.constant 0 : i32
      %dma_start3A_100 = tpu.memref_slice %arg6[%dma_start3A, %dma_start3A_93, %dma_start3A_99] : memref<2x2x128xi32, #tpu.memory_space<vmem>> -> memref<1x1x128xi32, #tpu.memory_space<vmem>>
      %dma_start3A_101 = tpu.memref_squeeze %dma_start3A_100 : memref<1x1x128xi32, #tpu.memory_space<vmem>> -> memref<128xi32, #tpu.memory_space<vmem>>
      %dma_start3A_102 = arith.constant 0 : i32
      %dma_start3A_103 = arith.constant 0 : i32
      %dma_start3A_104 = tpu.memref_slice %arg4[%dma_start3A_102, %dma_start3A_103] : memref<2744x192xf32, #tpu.memory_space<hbm>> -> memref<2744x192xf32, #tpu.memory_space<hbm>>
      tpu.enqueue_indirect_dma source(%dma_start3A_104 : memref<2744x192xf32, #tpu.memory_space<hbm>>) target(%dma_start3A_98 : memref<128x192xf32, #tpu.memory_space<vmem>>) offsets(%dma_start3A_101 : memref<128xi32, #tpu.memory_space<vmem>>) semaphore(%arg9 : memref<!tpu.dma_semaphore, #tpu.memory_space<semaphore_mem>>)
      %dma_start3A_105 = arith.constant 0 : i32
      %dma_start3A_106 = arith.constant 1 : i32
      %dma_start3A_107 = arith.constant 0 : i32
      %dma_start3A_108 = arith.constant 128 : i32
      %dma_start3A_109 = arith.constant 0 : i32
      %dma_start3A_110 = tpu.memref_slice %arg7[%dma_start3A_107, %dma_start3A_108, %dma_start3A_109] : memref<2x256x192xf32, #tpu.memory_space<vmem>> -> memref<1x128x192xf32, #tpu.memory_space<vmem>>
      %dma_start3A_111 = tpu.memref_squeeze %dma_start3A_110 : memref<1x128x192xf32, #tpu.memory_space<vmem>> -> memref<128x192xf32, #tpu.memory_space<vmem>>
      %dma_start3A_112 = arith.constant 0 : i32
      %dma_start3A_113 = tpu.memref_slice %arg6[%dma_start3A_105, %dma_start3A_106, %dma_start3A_112] : memref<2x2x128xi32, #tpu.memory_space<vmem>> -> memref<1x1x128xi32, #tpu.memory_space<vmem>>
      %dma_start3A_114 = tpu.memref_squeeze %dma_start3A_113 : memref<1x1x128xi32, #tpu.memory_space<vmem>> -> memref<128xi32, #tpu.memory_space<vmem>>
      %dma_start3A_115 = arith.constant 0 : i32
      %dma_start3A_116 = arith.constant 0 : i32
      %dma_start3A_117 = tpu.memref_slice %arg4[%dma_start3A_115, %dma_start3A_116] : memref<2744x192xf32, #tpu.memory_space<hbm>> -> memref<2744x192xf32, #tpu.memory_space<hbm>>
      tpu.enqueue_indirect_dma source(%dma_start3A_117 : memref<2744x192xf32, #tpu.memory_space<hbm>>) target(%dma_start3A_111 : memref<128x192xf32, #tpu.memory_space<vmem>>) offsets(%dma_start3A_114 : memref<128xi32, #tpu.memory_space<vmem>>) semaphore(%arg9 : memref<!tpu.dma_semaphore, #tpu.memory_space<semaphore_mem>>)
      %dma_start3A_118 = arith.constant 0 : i32
      %dma_start3A_119 = arith.constant 0 : i32
      %dma_start3A_120 = arith.constant 0 : i32
      %dma_start3A_121 = tpu.memref_slice %arg8[%dma_start3A_118, %dma_start3A_119, %dma_start3A_120] : memref<2x256x10xf32, #tpu.memory_space<vmem>> -> memref<1x256x10xf32, #tpu.memory_space<vmem>>
      %dma_start3A_122 = tpu.memref_squeeze %dma_start3A_121 : memref<1x256x10xf32, #tpu.memory_space<vmem>> -> memref<256x10xf32, #tpu.memory_space<vmem>>
      %dma_start3A_123 = arith.constant 0 : i32
      %dma_start3A_124 = tpu.memref_slice %arg3[%add3A_74, %dma_start3A_123] : memref<819200x10xf32, #tpu.memory_space<hbm>> -> memref<256x10xf32, #tpu.memory_space<hbm>>
      %dma_start3A_125 = arith.constant 0 : i32
      %dma_start3A_126 = arith.constant 0 : i32
      %dma_start3A_127 = tpu.memref_slice %arg8[%dma_start3A_118, %dma_start3A_125, %dma_start3A_126] : memref<2x256x10xf32, #tpu.memory_space<vmem>> -> memref<1x256x10xf32, #tpu.memory_space<vmem>>
      %dma_start3A_128 = tpu.memref_squeeze %dma_start3A_127 : memref<1x256x10xf32, #tpu.memory_space<vmem>> -> memref<256x10xf32, #tpu.memory_space<vmem>>
      %dma_start3A_129 = arith.constant 0 : i32
      %dma_start3A_130 = tpu.memref_slice %arg3[%add3A_74, %dma_start3A_129] : memref<819200x10xf32, #tpu.memory_space<hbm>> -> memref<256x10xf32, #tpu.memory_space<hbm>>
      tpu.enqueue_dma source(%dma_start3A_130 : memref<256x10xf32, #tpu.memory_space<hbm>>) target(%dma_start3A_128 : memref<256x10xf32, #tpu.memory_space<vmem>>) target_semaphore(%arg9 : memref<!tpu.dma_semaphore, #tpu.memory_space<semaphore_mem>>)
      %dma_wait3A_131 = arith.constant 0 : i32
      %dma_wait3A_132 = arith.constant 0 : i32
      %dma_wait3A_133 = arith.constant 0 : i32
      %dma_wait3A_134 = arith.constant 0 : i32
      %dma_wait3A_135 = arith.constant 0 : i32
      %dma_wait3A_136 = tpu.memref_slice %arg7[%dma_wait3A_133, %dma_wait3A_134, %dma_wait3A_135] : memref<2x256x192xf32, #tpu.memory_space<vmem>> -> memref<1x128x192xf32, #tpu.memory_space<vmem>>
      %dma_wait3A_137 = tpu.memref_squeeze %dma_wait3A_136 : memref<1x128x192xf32, #tpu.memory_space<vmem>> -> memref<128x192xf32, #tpu.memory_space<vmem>>
      %dma_wait3A_138 = arith.constant 0 : i32
      %dma_wait3A_139 = tpu.memref_slice %arg6[%dma_wait3A_131, %dma_wait3A_132, %dma_wait3A_138] : memref<2x2x128xi32, #tpu.memory_space<vmem>> -> memref<1x1x128xi32, #tpu.memory_space<vmem>>
      %dma_wait3A_140 = tpu.memref_squeeze %dma_wait3A_139 : memref<1x1x128xi32, #tpu.memory_space<vmem>> -> memref<128xi32, #tpu.memory_space<vmem>>
      %dma_wait3A_141 = arith.constant 0 : i32
      %dma_wait3A_142 = arith.constant 0 : i32
      %dma_wait3A_143 = tpu.memref_slice %arg4[%dma_wait3A_141, %dma_wait3A_142] : memref<2744x192xf32, #tpu.memory_space<hbm>> -> memref<2744x192xf32, #tpu.memory_space<hbm>>
      tpu.wait_indirect_dma semaphore(%arg9 : memref<!tpu.dma_semaphore, #tpu.memory_space<semaphore_mem>>) src(%dma_wait3A_143 : memref<2744x192xf32, #tpu.memory_space<hbm>>) dst(%dma_wait3A_137 : memref<128x192xf32, #tpu.memory_space<vmem>>)
      %dma_wait3A_144 = arith.constant 0 : i32
      %dma_wait3A_145 = arith.constant 1 : i32
      %dma_wait3A_146 = arith.constant 0 : i32
      %dma_wait3A_147 = arith.constant 128 : i32
      %dma_wait3A_148 = arith.constant 0 : i32
      %dma_wait3A_149 = tpu.memref_slice %arg7[%dma_wait3A_146, %dma_wait3A_147, %dma_wait3A_148] : memref<2x256x192xf32, #tpu.memory_space<vmem>> -> memref<1x128x192xf32, #tpu.memory_space<vmem>>
      %dma_wait3A_150 = tpu.memref_squeeze %dma_wait3A_149 : memref<1x128x192xf32, #tpu.memory_space<vmem>> -> memref<128x192xf32, #tpu.memory_space<vmem>>
      %dma_wait3A_151 = arith.constant 0 : i32
      %dma_wait3A_152 = tpu.memref_slice %arg6[%dma_wait3A_144, %dma_wait3A_145, %dma_wait3A_151] : memref<2x2x128xi32, #tpu.memory_space<vmem>> -> memref<1x1x128xi32, #tpu.memory_space<vmem>>
      %dma_wait3A_153 = tpu.memref_squeeze %dma_wait3A_152 : memref<1x1x128xi32, #tpu.memory_space<vmem>> -> memref<128xi32, #tpu.memory_space<vmem>>
      %dma_wait3A_154 = arith.constant 0 : i32
      %dma_wait3A_155 = arith.constant 0 : i32
      %dma_wait3A_156 = tpu.memref_slice %arg4[%dma_wait3A_154, %dma_wait3A_155] : memref<2744x192xf32, #tpu.memory_space<hbm>> -> memref<2744x192xf32, #tpu.memory_space<hbm>>
      tpu.wait_indirect_dma semaphore(%arg9 : memref<!tpu.dma_semaphore, #tpu.memory_space<semaphore_mem>>) src(%dma_wait3A_156 : memref<2744x192xf32, #tpu.memory_space<hbm>>) dst(%dma_wait3A_150 : memref<128x192xf32, #tpu.memory_space<vmem>>)
      %dma_wait3A_157 = arith.constant 0 : i32
      %dma_wait3A_158 = arith.constant 0 : i32
      %dma_wait3A_159 = arith.constant 0 : i32
      %dma_wait3A_160 = tpu.memref_slice %arg8[%dma_wait3A_157, %dma_wait3A_158, %dma_wait3A_159] : memref<2x256x10xf32, #tpu.memory_space<vmem>> -> memref<1x256x10xf32, #tpu.memory_space<vmem>>
      %dma_wait3A_161 = tpu.memref_squeeze %dma_wait3A_160 : memref<1x256x10xf32, #tpu.memory_space<vmem>> -> memref<256x10xf32, #tpu.memory_space<vmem>>
      %dma_wait3A_162 = arith.constant 0 : i32
      %dma_wait3A_163 = tpu.memref_slice %arg3[%add3A_74, %dma_wait3A_162] : memref<819200x10xf32, #tpu.memory_space<hbm>> -> memref<256x10xf32, #tpu.memory_space<hbm>>
      %dma_wait3A_164 = arith.constant 0 : i32
      %dma_wait3A_165 = arith.constant 0 : i32
      %dma_wait3A_166 = tpu.memref_slice %arg8[%dma_wait3A_157, %dma_wait3A_164, %dma_wait3A_165] : memref<2x256x10xf32, #tpu.memory_space<vmem>> -> memref<1x256x10xf32, #tpu.memory_space<vmem>>
      %dma_wait3A_167 = tpu.memref_squeeze %dma_wait3A_166 : memref<1x256x10xf32, #tpu.memory_space<vmem>> -> memref<256x10xf32, #tpu.memory_space<vmem>>
      %dma_wait3A_168 = arith.constant 0 : i32
      %dma_wait3A_169 = tpu.memref_slice %arg3[%add3A_74, %dma_wait3A_168] : memref<819200x10xf32, #tpu.memory_space<hbm>> -> memref<256x10xf32, #tpu.memory_space<hbm>>
      tpu.wait_dma2 semaphore(%arg9 : memref<!tpu.dma_semaphore, #tpu.memory_space<semaphore_mem>>) src(%dma_wait3A_169 : memref<256x10xf32, #tpu.memory_space<hbm>>) dst(%dma_wait3A_167 : memref<256x10xf32, #tpu.memory_space<vmem>>)
      %dma_start3A_170 = arith.constant 0 : i32
      %dma_start3A_171 = arith.constant 0 : i32
      %dma_start3A_172 = arith.constant 0 : i32
      %dma_start3A_173 = tpu.memref_slice %arg7[%dma_start3A_170, %dma_start3A_171, %dma_start3A_172] : memref<2x256x192xf32, #tpu.memory_space<vmem>> -> memref<1x256x192xf32, #tpu.memory_space<vmem>>
      %dma_start3A_174 = tpu.memref_squeeze %dma_start3A_173 : memref<1x256x192xf32, #tpu.memory_space<vmem>> -> memref<256x192xf32, #tpu.memory_space<vmem>>
      %dma_start3A_175 = arith.constant 0 : i32
      %dma_start3A_176 = tpu.memref_slice %arg5[%add3A_74, %dma_start3A_175] : memref<819200x202xf32, #tpu.memory_space<hbm>> -> memref<256x192xf32, #tpu.memory_space<hbm>>
      %dma_start3A_177 = arith.constant 0 : i32
      %dma_start3A_178 = tpu.memref_slice %arg5[%add3A_74, %dma_start3A_177] : memref<819200x202xf32, #tpu.memory_space<hbm>> -> memref<256x192xf32, #tpu.memory_space<hbm>>
      %dma_start3A_179 = arith.constant 0 : i32
      %dma_start3A_180 = arith.constant 0 : i32
      %dma_start3A_181 = tpu.memref_slice %arg7[%dma_start3A_170, %dma_start3A_179, %dma_start3A_180] : memref<2x256x192xf32, #tpu.memory_space<vmem>> -> memref<1x256x192xf32, #tpu.memory_space<vmem>>
      %dma_start3A_182 = tpu.memref_squeeze %dma_start3A_181 : memref<1x256x192xf32, #tpu.memory_space<vmem>> -> memref<256x192xf32, #tpu.memory_space<vmem>>
      tpu.enqueue_dma source(%dma_start3A_182 : memref<256x192xf32, #tpu.memory_space<vmem>>) target(%dma_start3A_178 : memref<256x192xf32, #tpu.memory_space<hbm>>) target_semaphore(%arg10 : memref<!tpu.dma_semaphore, #tpu.memory_space<semaphore_mem>>)
      %dma_start3A_183 = arith.constant 0 : i32
      %dma_start3A_184 = arith.constant 0 : i32
      %dma_start3A_185 = arith.constant 0 : i32
      %dma_start3A_186 = tpu.memref_slice %arg8[%dma_start3A_183, %dma_start3A_184, %dma_start3A_185] : memref<2x256x10xf32, #tpu.memory_space<vmem>> -> memref<1x256x10xf32, #tpu.memory_space<vmem>>
      %dma_start3A_187 = tpu.memref_squeeze %dma_start3A_186 : memref<1x256x10xf32, #tpu.memory_space<vmem>> -> memref<256x10xf32, #tpu.memory_space<vmem>>
      %dma_start3A_188 = arith.constant 192 : i32
      %dma_start3A_189 = tpu.memref_slice %arg5[%add3A_74, %dma_start3A_188] : memref<819200x202xf32, #tpu.memory_space<hbm>> -> memref<256x10xf32, #tpu.memory_space<hbm>>
      %dma_start3A_190 = arith.constant 192 : i32
      %dma_start3A_191 = tpu.memref_slice %arg5[%add3A_74, %dma_start3A_190] : memref<819200x202xf32, #tpu.memory_space<hbm>> -> memref<256x10xf32, #tpu.memory_space<hbm>>
      %dma_start3A_192 = arith.constant 0 : i32
      %dma_start3A_193 = arith.constant 0 : i32
      %dma_start3A_194 = tpu.memref_slice %arg8[%dma_start3A_183, %dma_start3A_192, %dma_start3A_193] : memref<2x256x10xf32, #tpu.memory_space<vmem>> -> memref<1x256x10xf32, #tpu.memory_space<vmem>>
      %dma_start3A_195 = tpu.memref_squeeze %dma_start3A_194 : memref<1x256x10xf32, #tpu.memory_space<vmem>> -> memref<256x10xf32, #tpu.memory_space<vmem>>
      tpu.enqueue_dma source(%dma_start3A_195 : memref<256x10xf32, #tpu.memory_space<vmem>>) target(%dma_start3A_191 : memref<256x10xf32, #tpu.memory_space<hbm>>) target_semaphore(%arg10 : memref<!tpu.dma_semaphore, #tpu.memory_space<semaphore_mem>>)
      %mul3A_196 = arith.constant 2 : i32
      %mul3A_197 = arith.muli %mul3A_196, %scan3A_65 : i32
      %add3A_198 = arith.constant 1 : i32
      %add3A_199 = arith.addi %mul3A_197, %add3A_198 : i32
      %mul3A_200 = arith.constant 25600 : i32
      %mul3A_201 = arith.muli %add3A, %mul3A_200 : i32
      %mul3A_202 = arith.constant 256 : i32
      %mul3A_203 = arith.muli %add3A_199, %mul3A_202 : i32
      %add3A_204 = arith.addi %mul3A_201, %mul3A_203 : i32
      %ge3A_205 = arith.constant 1 : i32
      %ge3A_206 = arith.cmpi sge, %scan3A_65, %ge3A_205 : i32
      %convert_element_type3A_207 = arith.extui %ge3A_206 : i1 to i32
      %cond3A_208 = arith.constant 0 : i32
      %cond3A_209 = arith.cmpi ne, %convert_element_type3A_207, %cond3A_208 : i32
      scf.if %cond3A_209 {
        %dma_wait3A_339 = arith.constant 1 : i32
        %dma_wait3A_340 = arith.constant 0 : i32
        %dma_wait3A_341 = arith.constant 0 : i32
        %dma_wait3A_342 = tpu.memref_slice %arg7[%dma_wait3A_339, %dma_wait3A_340, %dma_wait3A_341] : memref<2x256x192xf32, #tpu.memory_space<vmem>> -> memref<1x256x192xf32, #tpu.memory_space<vmem>>
        %dma_wait3A_343 = tpu.memref_squeeze %dma_wait3A_342 : memref<1x256x192xf32, #tpu.memory_space<vmem>> -> memref<256x192xf32, #tpu.memory_space<vmem>>
        %dma_wait3A_344 = arith.constant 0 : i32
        %dma_wait3A_345 = arith.constant 0 : i32
        %dma_wait3A_346 = tpu.memref_slice %arg5[%dma_wait3A_344, %dma_wait3A_345] : memref<819200x202xf32, #tpu.memory_space<hbm>> -> memref<256x192xf32, #tpu.memory_space<hbm>>
        %dma_wait3A_347 = arith.constant 0 : i32
        %dma_wait3A_348 = arith.constant 0 : i32
        %dma_wait3A_349 = tpu.memref_slice %arg7[%dma_wait3A_339, %dma_wait3A_347, %dma_wait3A_348] : memref<2x256x192xf32, #tpu.memory_space<vmem>> -> memref<1x256x192xf32, #tpu.memory_space<vmem>>
        %dma_wait3A_350 = tpu.memref_squeeze %dma_wait3A_349 : memref<1x256x192xf32, #tpu.memory_space<vmem>> -> memref<256x192xf32, #tpu.memory_space<vmem>>
        %dma_wait3A_351 = arith.constant 0 : i32
        %dma_wait3A_352 = arith.constant 0 : i32
        %dma_wait3A_353 = tpu.memref_slice %arg5[%dma_wait3A_351, %dma_wait3A_352] : memref<819200x202xf32, #tpu.memory_space<hbm>> -> memref<256x192xf32, #tpu.memory_space<hbm>>
        tpu.wait_dma2 semaphore(%arg11 : memref<!tpu.dma_semaphore, #tpu.memory_space<semaphore_mem>>) src(%dma_wait3A_353 : memref<256x192xf32, #tpu.memory_space<hbm>>) dst(%dma_wait3A_350 : memref<256x192xf32, #tpu.memory_space<vmem>>)
        %dma_wait3A_354 = arith.constant 1 : i32
        %dma_wait3A_355 = arith.constant 0 : i32
        %dma_wait3A_356 = arith.constant 0 : i32
        %dma_wait3A_357 = tpu.memref_slice %arg8[%dma_wait3A_354, %dma_wait3A_355, %dma_wait3A_356] : memref<2x256x10xf32, #tpu.memory_space<vmem>> -> memref<1x256x10xf32, #tpu.memory_space<vmem>>
        %dma_wait3A_358 = tpu.memref_squeeze %dma_wait3A_357 : memref<1x256x10xf32, #tpu.memory_space<vmem>> -> memref<256x10xf32, #tpu.memory_space<vmem>>
        %dma_wait3A_359 = arith.constant 0 : i32
        %dma_wait3A_360 = arith.constant 192 : i32
        %dma_wait3A_361 = tpu.memref_slice %arg5[%dma_wait3A_359, %dma_wait3A_360] : memref<819200x202xf32, #tpu.memory_space<hbm>> -> memref<256x10xf32, #tpu.memory_space<hbm>>
        %dma_wait3A_362 = arith.constant 0 : i32
        %dma_wait3A_363 = arith.constant 0 : i32
        %dma_wait3A_364 = tpu.memref_slice %arg8[%dma_wait3A_354, %dma_wait3A_362, %dma_wait3A_363] : memref<2x256x10xf32, #tpu.memory_space<vmem>> -> memref<1x256x10xf32, #tpu.memory_space<vmem>>
        %dma_wait3A_365 = tpu.memref_squeeze %dma_wait3A_364 : memref<1x256x10xf32, #tpu.memory_space<vmem>> -> memref<256x10xf32, #tpu.memory_space<vmem>>
        %dma_wait3A_366 = arith.constant 0 : i32
        %dma_wait3A_367 = arith.constant 192 : i32
        %dma_wait3A_368 = tpu.memref_slice %arg5[%dma_wait3A_366, %dma_wait3A_367] : memref<819200x202xf32, #tpu.memory_space<hbm>> -> memref<256x10xf32, #tpu.memory_space<hbm>>
        tpu.wait_dma2 semaphore(%arg11 : memref<!tpu.dma_semaphore, #tpu.memory_space<semaphore_mem>>) src(%dma_wait3A_368 : memref<256x10xf32, #tpu.memory_space<hbm>>) dst(%dma_wait3A_365 : memref<256x10xf32, #tpu.memory_space<vmem>>)
      } else {
      }
      %jit3A_210 = arith.constant 128 : i32
      %div3A_211 = arith.divsi %add3A_204, %jit3A_210 : i32
      %sign3A_212 = arith.constant 0 : i32
      %sign3A_213 = arith.cmpi sgt, %add3A_204, %sign3A_212 : i32
      %sign3A_214 = arith.extui %sign3A_213 : i1 to i32
      %sign3A_215 = arith.constant 0 : i32
      %sign3A_216 = arith.cmpi slt, %add3A_204, %sign3A_215 : i32
      %sign3A_217 = arith.extui %sign3A_216 : i1 to i32
      %sign3A_218 = arith.subi %sign3A_214, %sign3A_217 : i32
      %sign3A_219 = arith.constant 0 : i32
      %sign3A_220 = arith.cmpi sgt, %jit3A_210, %sign3A_219 : i32
      %sign3A_221 = arith.extui %sign3A_220 : i1 to i32
      %sign3A_222 = arith.constant 0 : i32
      %sign3A_223 = arith.cmpi slt, %jit3A_210, %sign3A_222 : i32
      %sign3A_224 = arith.extui %sign3A_223 : i1 to i32
      %sign3A_225 = arith.subi %sign3A_221, %sign3A_224 : i32
      %ne3A_226 = arith.cmpi ne, %sign3A_218, %sign3A_225 : i32
      %rem3A_227 = arith.remsi %add3A_204, %jit3A_210 : i32
      %ne3A_228 = arith.constant 0 : i32
      %ne3A_229 = arith.cmpi ne, %rem3A_227, %ne3A_228 : i32
      %and3A_230 = arith.andi %ne3A_226, %ne3A_229 : i1
      %sub3A_231 = arith.constant 1 : i32
      %sub3A_232 = arith.subi %div3A_211, %sub3A_231 : i32
      %select_n3A_233 = arith.select %and3A_230, %sub3A_232, %div3A_211 : i32
      %run_scoped3A_234 = arith.constant 1 : i32
      "tpu.region"() ({
        %run_scoped3A_339 = tpu.sem_alloc : memref<!tpu.dma_semaphore, #tpu.memory_space<semaphore_mem>>
        %dma_start3A_340 = arith.constant 0 : i32
        %dma_start3A_341 = arith.constant 0 : i32
        %dma_start3A_342 = tpu.memref_slice %arg6[%run_scoped3A_234, %dma_start3A_340, %dma_start3A_341] : memref<2x2x128xi32, #tpu.memory_space<vmem>> -> memref<1x2x128xi32, #tpu.memory_space<vmem>>
        %dma_start3A_343 = tpu.memref_squeeze %dma_start3A_342 : memref<1x2x128xi32, #tpu.memory_space<vmem>> -> memref<2x128xi32, #tpu.memory_space<vmem>>
        %dma_start3A_344 = arith.constant 0 : i32
        %dma_start3A_345 = tpu.memref_slice %arg2[%select_n3A_233, %dma_start3A_344] : memref<6400x128xi32, #tpu.memory_space<hbm>> -> memref<2x128xi32, #tpu.memory_space<hbm>>
        %dma_start3A_346 = arith.constant 0 : i32
        %dma_start3A_347 = arith.constant 0 : i32
        %dma_start3A_348 = tpu.memref_slice %arg6[%run_scoped3A_234, %dma_start3A_346, %dma_start3A_347] : memref<2x2x128xi32, #tpu.memory_space<vmem>> -> memref<1x2x128xi32, #tpu.memory_space<vmem>>
        %dma_start3A_349 = tpu.memref_squeeze %dma_start3A_348 : memref<1x2x128xi32, #tpu.memory_space<vmem>> -> memref<2x128xi32, #tpu.memory_space<vmem>>
        %dma_start3A_350 = arith.constant 0 : i32
        %dma_start3A_351 = tpu.memref_slice %arg2[%select_n3A_233, %dma_start3A_350] : memref<6400x128xi32, #tpu.memory_space<hbm>> -> memref<2x128xi32, #tpu.memory_space<hbm>>
        tpu.enqueue_dma source(%dma_start3A_351 : memref<2x128xi32, #tpu.memory_space<hbm>>) target(%dma_start3A_349 : memref<2x128xi32, #tpu.memory_space<vmem>>) target_semaphore(%run_scoped3A_339 : memref<!tpu.dma_semaphore, #tpu.memory_space<semaphore_mem>>)
        %dma_wait3A_352 = arith.constant 0 : i32
        %dma_wait3A_353 = arith.constant 0 : i32
        %dma_wait3A_354 = tpu.memref_slice %arg6[%run_scoped3A_234, %dma_wait3A_352, %dma_wait3A_353] : memref<2x2x128xi32, #tpu.memory_space<vmem>> -> memref<1x2x128xi32, #tpu.memory_space<vmem>>
        %dma_wait3A_355 = tpu.memref_squeeze %dma_wait3A_354 : memref<1x2x128xi32, #tpu.memory_space<vmem>> -> memref<2x128xi32, #tpu.memory_space<vmem>>
        %dma_wait3A_356 = arith.constant 0 : i32
        %dma_wait3A_357 = tpu.memref_slice %arg2[%select_n3A_233, %dma_wait3A_356] : memref<6400x128xi32, #tpu.memory_space<hbm>> -> memref<2x128xi32, #tpu.memory_space<hbm>>
        %dma_wait3A_358 = arith.constant 0 : i32
        %dma_wait3A_359 = arith.constant 0 : i32
        %dma_wait3A_360 = tpu.memref_slice %arg6[%run_scoped3A_234, %dma_wait3A_358, %dma_wait3A_359] : memref<2x2x128xi32, #tpu.memory_space<vmem>> -> memref<1x2x128xi32, #tpu.memory_space<vmem>>
        %dma_wait3A_361 = tpu.memref_squeeze %dma_wait3A_360 : memref<1x2x128xi32, #tpu.memory_space<vmem>> -> memref<2x128xi32, #tpu.memory_space<vmem>>
        %dma_wait3A_362 = arith.constant 0 : i32
        %dma_wait3A_363 = tpu.memref_slice %arg2[%select_n3A_233, %dma_wait3A_362] : memref<6400x128xi32, #tpu.memory_space<hbm>> -> memref<2x128xi32, #tpu.memory_space<hbm>>
        tpu.wait_dma2 semaphore(%run_scoped3A_339 : memref<!tpu.dma_semaphore, #tpu.memory_space<semaphore_mem>>) src(%dma_wait3A_363 : memref<2x128xi32, #tpu.memory_space<hbm>>) dst(%dma_wait3A_361 : memref<2x128xi32, #tpu.memory_space<vmem>>)
        tpu.yield
      }) : () -> ()
      %dma_start3A_235 = arith.constant 1 : i32
      %dma_start3A_236 = arith.constant 0 : i32
      %dma_start3A_237 = arith.constant 1 : i32
      %dma_start3A_238 = arith.constant 0 : i32
      %dma_start3A_239 = arith.constant 0 : i32
      %dma_start3A_240 = tpu.memref_slice %arg7[%dma_start3A_237, %dma_start3A_238, %dma_start3A_239] : memref<2x256x192xf32, #tpu.memory_space<vmem>> -> memref<1x128x192xf32, #tpu.memory_space<vmem>>
      %dma_start3A_241 = tpu.memref_squeeze %dma_start3A_240 : memref<1x128x192xf32, #tpu.memory_space<vmem>> -> memref<128x192xf32, #tpu.memory_space<vmem>>
      %dma_start3A_242 = arith.constant 0 : i32
      %dma_start3A_243 = tpu.memref_slice %arg6[%dma_start3A_235, %dma_start3A_236, %dma_start3A_242] : memref<2x2x128xi32, #tpu.memory_space<vmem>> -> memref<1x1x128xi32, #tpu.memory_space<vmem>>
      %dma_start3A_244 = tpu.memref_squeeze %dma_start3A_243 : memref<1x1x128xi32, #tpu.memory_space<vmem>> -> memref<128xi32, #tpu.memory_space<vmem>>
      %dma_start3A_245 = arith.constant 0 : i32
      %dma_start3A_246 = arith.constant 0 : i32
      %dma_start3A_247 = tpu.memref_slice %arg4[%dma_start3A_245, %dma_start3A_246] : memref<2744x192xf32, #tpu.memory_space<hbm>> -> memref<2744x192xf32, #tpu.memory_space<hbm>>
      tpu.enqueue_indirect_dma source(%dma_start3A_247 : memref<2744x192xf32, #tpu.memory_space<hbm>>) target(%dma_start3A_241 : memref<128x192xf32, #tpu.memory_space<vmem>>) offsets(%dma_start3A_244 : memref<128xi32, #tpu.memory_space<vmem>>) semaphore(%arg9 : memref<!tpu.dma_semaphore, #tpu.memory_space<semaphore_mem>>)
      %dma_start3A_248 = arith.constant 1 : i32
      %dma_start3A_249 = arith.constant 1 : i32
      %dma_start3A_250 = arith.constant 1 : i32
      %dma_start3A_251 = arith.constant 128 : i32
      %dma_start3A_252 = arith.constant 0 : i32
      %dma_start3A_253 = tpu.memref_slice %arg7[%dma_start3A_250, %dma_start3A_251, %dma_start3A_252] : memref<2x256x192xf32, #tpu.memory_space<vmem>> -> memref<1x128x192xf32, #tpu.memory_space<vmem>>
      %dma_start3A_254 = tpu.memref_squeeze %dma_start3A_253 : memref<1x128x192xf32, #tpu.memory_space<vmem>> -> memref<128x192xf32, #tpu.memory_space<vmem>>
      %dma_start3A_255 = arith.constant 0 : i32
      %dma_start3A_256 = tpu.memref_slice %arg6[%dma_start3A_248, %dma_start3A_249, %dma_start3A_255] : memref<2x2x128xi32, #tpu.memory_space<vmem>> -> memref<1x1x128xi32, #tpu.memory_space<vmem>>
      %dma_start3A_257 = tpu.memref_squeeze %dma_start3A_256 : memref<1x1x128xi32, #tpu.memory_space<vmem>> -> memref<128xi32, #tpu.memory_space<vmem>>
      %dma_start3A_258 = arith.constant 0 : i32
      %dma_start3A_259 = arith.constant 0 : i32
      %dma_start3A_260 = tpu.memref_slice %arg4[%dma_start3A_258, %dma_start3A_259] : memref<2744x192xf32, #tpu.memory_space<hbm>> -> memref<2744x192xf32, #tpu.memory_space<hbm>>
      tpu.enqueue_indirect_dma source(%dma_start3A_260 : memref<2744x192xf32, #tpu.memory_space<hbm>>) target(%dma_start3A_254 : memref<128x192xf32, #tpu.memory_space<vmem>>) offsets(%dma_start3A_257 : memref<128xi32, #tpu.memory_space<vmem>>) semaphore(%arg9 : memref<!tpu.dma_semaphore, #tpu.memory_space<semaphore_mem>>)
      %dma_start3A_261 = arith.constant 1 : i32
      %dma_start3A_262 = arith.constant 0 : i32
      %dma_start3A_263 = arith.constant 0 : i32
      %dma_start3A_264 = tpu.memref_slice %arg8[%dma_start3A_261, %dma_start3A_262, %dma_start3A_263] : memref<2x256x10xf32, #tpu.memory_space<vmem>> -> memref<1x256x10xf32, #tpu.memory_space<vmem>>
      %dma_start3A_265 = tpu.memref_squeeze %dma_start3A_264 : memref<1x256x10xf32, #tpu.memory_space<vmem>> -> memref<256x10xf32, #tpu.memory_space<vmem>>
      %dma_start3A_266 = arith.constant 0 : i32
      %dma_start3A_267 = tpu.memref_slice %arg3[%add3A_204, %dma_start3A_266] : memref<819200x10xf32, #tpu.memory_space<hbm>> -> memref<256x10xf32, #tpu.memory_space<hbm>>
      %dma_start3A_268 = arith.constant 0 : i32
      %dma_start3A_269 = arith.constant 0 : i32
      %dma_start3A_270 = tpu.memref_slice %arg8[%dma_start3A_261, %dma_start3A_268, %dma_start3A_269] : memref<2x256x10xf32, #tpu.memory_space<vmem>> -> memref<1x256x10xf32, #tpu.memory_space<vmem>>
      %dma_start3A_271 = tpu.memref_squeeze %dma_start3A_270 : memref<1x256x10xf32, #tpu.memory_space<vmem>> -> memref<256x10xf32, #tpu.memory_space<vmem>>
      %dma_start3A_272 = arith.constant 0 : i32
      %dma_start3A_273 = tpu.memref_slice %arg3[%add3A_204, %dma_start3A_272] : memref<819200x10xf32, #tpu.memory_space<hbm>> -> memref<256x10xf32, #tpu.memory_space<hbm>>
      tpu.enqueue_dma source(%dma_start3A_273 : memref<256x10xf32, #tpu.memory_space<hbm>>) target(%dma_start3A_271 : memref<256x10xf32, #tpu.memory_space<vmem>>) target_semaphore(%arg9 : memref<!tpu.dma_semaphore, #tpu.memory_space<semaphore_mem>>)
      %dma_wait3A_274 = arith.constant 1 : i32
      %dma_wait3A_275 = arith.constant 0 : i32
      %dma_wait3A_276 = arith.constant 1 : i32
      %dma_wait3A_277 = arith.constant 0 : i32
      %dma_wait3A_278 = arith.constant 0 : i32
      %dma_wait3A_279 = tpu.memref_slice %arg7[%dma_wait3A_276, %dma_wait3A_277, %dma_wait3A_278] : memref<2x256x192xf32, #tpu.memory_space<vmem>> -> memref<1x128x192xf32, #tpu.memory_space<vmem>>
      %dma_wait3A_280 = tpu.memref_squeeze %dma_wait3A_279 : memref<1x128x192xf32, #tpu.memory_space<vmem>> -> memref<128x192xf32, #tpu.memory_space<vmem>>
      %dma_wait3A_281 = arith.constant 0 : i32
      %dma_wait3A_282 = tpu.memref_slice %arg6[%dma_wait3A_274, %dma_wait3A_275, %dma_wait3A_281] : memref<2x2x128xi32, #tpu.memory_space<vmem>> -> memref<1x1x128xi32, #tpu.memory_space<vmem>>
      %dma_wait3A_283 = tpu.memref_squeeze %dma_wait3A_282 : memref<1x1x128xi32, #tpu.memory_space<vmem>> -> memref<128xi32, #tpu.memory_space<vmem>>
      %dma_wait3A_284 = arith.constant 0 : i32
      %dma_wait3A_285 = arith.constant 0 : i32
      %dma_wait3A_286 = tpu.memref_slice %arg4[%dma_wait3A_284, %dma_wait3A_285] : memref<2744x192xf32, #tpu.memory_space<hbm>> -> memref<2744x192xf32, #tpu.memory_space<hbm>>
      tpu.wait_indirect_dma semaphore(%arg9 : memref<!tpu.dma_semaphore, #tpu.memory_space<semaphore_mem>>) src(%dma_wait3A_286 : memref<2744x192xf32, #tpu.memory_space<hbm>>) dst(%dma_wait3A_280 : memref<128x192xf32, #tpu.memory_space<vmem>>)
      %dma_wait3A_287 = arith.constant 1 : i32
      %dma_wait3A_288 = arith.constant 1 : i32
      %dma_wait3A_289 = arith.constant 1 : i32
      %dma_wait3A_290 = arith.constant 128 : i32
      %dma_wait3A_291 = arith.constant 0 : i32
      %dma_wait3A_292 = tpu.memref_slice %arg7[%dma_wait3A_289, %dma_wait3A_290, %dma_wait3A_291] : memref<2x256x192xf32, #tpu.memory_space<vmem>> -> memref<1x128x192xf32, #tpu.memory_space<vmem>>
      %dma_wait3A_293 = tpu.memref_squeeze %dma_wait3A_292 : memref<1x128x192xf32, #tpu.memory_space<vmem>> -> memref<128x192xf32, #tpu.memory_space<vmem>>
      %dma_wait3A_294 = arith.constant 0 : i32
      %dma_wait3A_295 = tpu.memref_slice %arg6[%dma_wait3A_287, %dma_wait3A_288, %dma_wait3A_294] : memref<2x2x128xi32, #tpu.memory_space<vmem>> -> memref<1x1x128xi32, #tpu.memory_space<vmem>>
      %dma_wait3A_296 = tpu.memref_squeeze %dma_wait3A_295 : memref<1x1x128xi32, #tpu.memory_space<vmem>> -> memref<128xi32, #tpu.memory_space<vmem>>
      %dma_wait3A_297 = arith.constant 0 : i32
      %dma_wait3A_298 = arith.constant 0 : i32
      %dma_wait3A_299 = tpu.memref_slice %arg4[%dma_wait3A_297, %dma_wait3A_298] : memref<2744x192xf32, #tpu.memory_space<hbm>> -> memref<2744x192xf32, #tpu.memory_space<hbm>>
      tpu.wait_indirect_dma semaphore(%arg9 : memref<!tpu.dma_semaphore, #tpu.memory_space<semaphore_mem>>) src(%dma_wait3A_299 : memref<2744x192xf32, #tpu.memory_space<hbm>>) dst(%dma_wait3A_293 : memref<128x192xf32, #tpu.memory_space<vmem>>)
      %dma_wait3A_300 = arith.constant 1 : i32
      %dma_wait3A_301 = arith.constant 0 : i32
      %dma_wait3A_302 = arith.constant 0 : i32
      %dma_wait3A_303 = tpu.memref_slice %arg8[%dma_wait3A_300, %dma_wait3A_301, %dma_wait3A_302] : memref<2x256x10xf32, #tpu.memory_space<vmem>> -> memref<1x256x10xf32, #tpu.memory_space<vmem>>
      %dma_wait3A_304 = tpu.memref_squeeze %dma_wait3A_303 : memref<1x256x10xf32, #tpu.memory_space<vmem>> -> memref<256x10xf32, #tpu.memory_space<vmem>>
      %dma_wait3A_305 = arith.constant 0 : i32
      %dma_wait3A_306 = tpu.memref_slice %arg3[%add3A_204, %dma_wait3A_305] : memref<819200x10xf32, #tpu.memory_space<hbm>> -> memref<256x10xf32, #tpu.memory_space<hbm>>
      %dma_wait3A_307 = arith.constant 0 : i32
      %dma_wait3A_308 = arith.constant 0 : i32
      %dma_wait3A_309 = tpu.memref_slice %arg8[%dma_wait3A_300, %dma_wait3A_307, %dma_wait3A_308] : memref<2x256x10xf32, #tpu.memory_space<vmem>> -> memref<1x256x10xf32, #tpu.memory_space<vmem>>
      %dma_wait3A_310 = tpu.memref_squeeze %dma_wait3A_309 : memref<1x256x10xf32, #tpu.memory_space<vmem>> -> memref<256x10xf32, #tpu.memory_space<vmem>>
      %dma_wait3A_311 = arith.constant 0 : i32
      %dma_wait3A_312 = tpu.memref_slice %arg3[%add3A_204, %dma_wait3A_311] : memref<819200x10xf32, #tpu.memory_space<hbm>> -> memref<256x10xf32, #tpu.memory_space<hbm>>
      tpu.wait_dma2 semaphore(%arg9 : memref<!tpu.dma_semaphore, #tpu.memory_space<semaphore_mem>>) src(%dma_wait3A_312 : memref<256x10xf32, #tpu.memory_space<hbm>>) dst(%dma_wait3A_310 : memref<256x10xf32, #tpu.memory_space<vmem>>)
      %dma_start3A_313 = arith.constant 1 : i32
      %dma_start3A_314 = arith.constant 0 : i32
      %dma_start3A_315 = arith.constant 0 : i32
      %dma_start3A_316 = tpu.memref_slice %arg7[%dma_start3A_313, %dma_start3A_314, %dma_start3A_315] : memref<2x256x192xf32, #tpu.memory_space<vmem>> -> memref<1x256x192xf32, #tpu.memory_space<vmem>>
      %dma_start3A_317 = tpu.memref_squeeze %dma_start3A_316 : memref<1x256x192xf32, #tpu.memory_space<vmem>> -> memref<256x192xf32, #tpu.memory_space<vmem>>
      %dma_start3A_318 = arith.constant 0 : i32
      %dma_start3A_319 = tpu.memref_slice %arg5[%add3A_204, %dma_start3A_318] : memref<819200x202xf32, #tpu.memory_space<hbm>> -> memref<256x192xf32, #tpu.memory_space<hbm>>
      %dma_start3A_320 = arith.constant 0 : i32
      %dma_start3A_321 = tpu.memref_slice %arg5[%add3A_204, %dma_start3A_320] : memref<819200x202xf32, #tpu.memory_space<hbm>> -> memref<256x192xf32, #tpu.memory_space<hbm>>
      %dma_start3A_322 = arith.constant 0 : i32
      %dma_start3A_323 = arith.constant 0 : i32
      %dma_start3A_324 = tpu.memref_slice %arg7[%dma_start3A_313, %dma_start3A_322, %dma_start3A_323] : memref<2x256x192xf32, #tpu.memory_space<vmem>> -> memref<1x256x192xf32, #tpu.memory_space<vmem>>
      %dma_start3A_325 = tpu.memref_squeeze %dma_start3A_324 : memref<1x256x192xf32, #tpu.memory_space<vmem>> -> memref<256x192xf32, #tpu.memory_space<vmem>>
      tpu.enqueue_dma source(%dma_start3A_325 : memref<256x192xf32, #tpu.memory_space<vmem>>) target(%dma_start3A_321 : memref<256x192xf32, #tpu.memory_space<hbm>>) target_semaphore(%arg11 : memref<!tpu.dma_semaphore, #tpu.memory_space<semaphore_mem>>)
      %dma_start3A_326 = arith.constant 1 : i32
      %dma_start3A_327 = arith.constant 0 : i32
      %dma_start3A_328 = arith.constant 0 : i32
      %dma_start3A_329 = tpu.memref_slice %arg8[%dma_start3A_326, %dma_start3A_327, %dma_start3A_328] : memref<2x256x10xf32, #tpu.memory_space<vmem>> -> memref<1x256x10xf32, #tpu.memory_space<vmem>>
      %dma_start3A_330 = tpu.memref_squeeze %dma_start3A_329 : memref<1x256x10xf32, #tpu.memory_space<vmem>> -> memref<256x10xf32, #tpu.memory_space<vmem>>
      %dma_start3A_331 = arith.constant 192 : i32
      %dma_start3A_332 = tpu.memref_slice %arg5[%add3A_204, %dma_start3A_331] : memref<819200x202xf32, #tpu.memory_space<hbm>> -> memref<256x10xf32, #tpu.memory_space<hbm>>
      %dma_start3A_333 = arith.constant 192 : i32
      %dma_start3A_334 = tpu.memref_slice %arg5[%add3A_204, %dma_start3A_333] : memref<819200x202xf32, #tpu.memory_space<hbm>> -> memref<256x10xf32, #tpu.memory_space<hbm>>
      %dma_start3A_335 = arith.constant 0 : i32
      %dma_start3A_336 = arith.constant 0 : i32
      %dma_start3A_337 = tpu.memref_slice %arg8[%dma_start3A_326, %dma_start3A_335, %dma_start3A_336] : memref<2x256x10xf32, #tpu.memory_space<vmem>> -> memref<1x256x10xf32, #tpu.memory_space<vmem>>
      %dma_start3A_338 = tpu.memref_squeeze %dma_start3A_337 : memref<1x256x10xf32, #tpu.memory_space<vmem>> -> memref<256x10xf32, #tpu.memory_space<vmem>>
      tpu.enqueue_dma source(%dma_start3A_338 : memref<256x10xf32, #tpu.memory_space<vmem>>) target(%dma_start3A_334 : memref<256x10xf32, #tpu.memory_space<hbm>>) target_semaphore(%arg11 : memref<!tpu.dma_semaphore, #tpu.memory_space<semaphore_mem>>)
    }
    %scan3A_5 = arith.constant 50 : i32
    %dma_wait3A = arith.constant 0 : i32
    %dma_wait3A_6 = arith.constant 0 : i32
    %dma_wait3A_7 = arith.constant 0 : i32
    %dma_wait3A_8 = tpu.memref_slice %arg7[%dma_wait3A, %dma_wait3A_6, %dma_wait3A_7] : memref<2x256x192xf32, #tpu.memory_space<vmem>> -> memref<1x256x192xf32, #tpu.memory_space<vmem>>
    %dma_wait3A_9 = tpu.memref_squeeze %dma_wait3A_8 : memref<1x256x192xf32, #tpu.memory_space<vmem>> -> memref<256x192xf32, #tpu.memory_space<vmem>>
    %dma_wait3A_10 = arith.constant 0 : i32
    %dma_wait3A_11 = arith.constant 0 : i32
    %dma_wait3A_12 = tpu.memref_slice %arg5[%dma_wait3A_10, %dma_wait3A_11] : memref<819200x202xf32, #tpu.memory_space<hbm>> -> memref<256x192xf32, #tpu.memory_space<hbm>>
    %dma_wait3A_13 = arith.constant 0 : i32
    %dma_wait3A_14 = arith.constant 0 : i32
    %dma_wait3A_15 = tpu.memref_slice %arg7[%dma_wait3A, %dma_wait3A_13, %dma_wait3A_14] : memref<2x256x192xf32, #tpu.memory_space<vmem>> -> memref<1x256x192xf32, #tpu.memory_space<vmem>>
    %dma_wait3A_16 = tpu.memref_squeeze %dma_wait3A_15 : memref<1x256x192xf32, #tpu.memory_space<vmem>> -> memref<256x192xf32, #tpu.memory_space<vmem>>
    %dma_wait3A_17 = arith.constant 0 : i32
    %dma_wait3A_18 = arith.constant 0 : i32
    %dma_wait3A_19 = tpu.memref_slice %arg5[%dma_wait3A_17, %dma_wait3A_18] : memref<819200x202xf32, #tpu.memory_space<hbm>> -> memref<256x192xf32, #tpu.memory_space<hbm>>
    tpu.wait_dma2 semaphore(%arg10 : memref<!tpu.dma_semaphore, #tpu.memory_space<semaphore_mem>>) src(%dma_wait3A_19 : memref<256x192xf32, #tpu.memory_space<hbm>>) dst(%dma_wait3A_16 : memref<256x192xf32, #tpu.memory_space<vmem>>)
    %dma_wait3A_20 = arith.constant 0 : i32
    %dma_wait3A_21 = arith.constant 0 : i32
    %dma_wait3A_22 = arith.constant 0 : i32
    %dma_wait3A_23 = tpu.memref_slice %arg8[%dma_wait3A_20, %dma_wait3A_21, %dma_wait3A_22] : memref<2x256x10xf32, #tpu.memory_space<vmem>> -> memref<1x256x10xf32, #tpu.memory_space<vmem>>
    %dma_wait3A_24 = tpu.memref_squeeze %dma_wait3A_23 : memref<1x256x10xf32, #tpu.memory_space<vmem>> -> memref<256x10xf32, #tpu.memory_space<vmem>>
    %dma_wait3A_25 = arith.constant 0 : i32
    %dma_wait3A_26 = arith.constant 192 : i32
    %dma_wait3A_27 = tpu.memref_slice %arg5[%dma_wait3A_25, %dma_wait3A_26] : memref<819200x202xf32, #tpu.memory_space<hbm>> -> memref<256x10xf32, #tpu.memory_space<hbm>>
    %dma_wait3A_28 = arith.constant 0 : i32
    %dma_wait3A_29 = arith.constant 0 : i32
    %dma_wait3A_30 = tpu.memref_slice %arg8[%dma_wait3A_20, %dma_wait3A_28, %dma_wait3A_29] : memref<2x256x10xf32, #tpu.memory_space<vmem>> -> memref<1x256x10xf32, #tpu.memory_space<vmem>>
    %dma_wait3A_31 = tpu.memref_squeeze %dma_wait3A_30 : memref<1x256x10xf32, #tpu.memory_space<vmem>> -> memref<256x10xf32, #tpu.memory_space<vmem>>
    %dma_wait3A_32 = arith.constant 0 : i32
    %dma_wait3A_33 = arith.constant 192 : i32
    %dma_wait3A_34 = tpu.memref_slice %arg5[%dma_wait3A_32, %dma_wait3A_33] : memref<819200x202xf32, #tpu.memory_space<hbm>> -> memref<256x10xf32, #tpu.memory_space<hbm>>
    tpu.wait_dma2 semaphore(%arg10 : memref<!tpu.dma_semaphore, #tpu.memory_space<semaphore_mem>>) src(%dma_wait3A_34 : memref<256x10xf32, #tpu.memory_space<hbm>>) dst(%dma_wait3A_31 : memref<256x10xf32, #tpu.memory_space<vmem>>)
    %dma_wait3A_35 = arith.constant 1 : i32
    %dma_wait3A_36 = arith.constant 0 : i32
    %dma_wait3A_37 = arith.constant 0 : i32
    %dma_wait3A_38 = tpu.memref_slice %arg7[%dma_wait3A_35, %dma_wait3A_36, %dma_wait3A_37] : memref<2x256x192xf32, #tpu.memory_space<vmem>> -> memref<1x256x192xf32, #tpu.memory_space<vmem>>
    %dma_wait3A_39 = tpu.memref_squeeze %dma_wait3A_38 : memref<1x256x192xf32, #tpu.memory_space<vmem>> -> memref<256x192xf32, #tpu.memory_space<vmem>>
    %dma_wait3A_40 = arith.constant 0 : i32
    %dma_wait3A_41 = arith.constant 0 : i32
    %dma_wait3A_42 = tpu.memref_slice %arg5[%dma_wait3A_40, %dma_wait3A_41] : memref<819200x202xf32, #tpu.memory_space<hbm>> -> memref<256x192xf32, #tpu.memory_space<hbm>>
    %dma_wait3A_43 = arith.constant 0 : i32
    %dma_wait3A_44 = arith.constant 0 : i32
    %dma_wait3A_45 = tpu.memref_slice %arg7[%dma_wait3A_35, %dma_wait3A_43, %dma_wait3A_44] : memref<2x256x192xf32, #tpu.memory_space<vmem>> -> memref<1x256x192xf32, #tpu.memory_space<vmem>>
    %dma_wait3A_46 = tpu.memref_squeeze %dma_wait3A_45 : memref<1x256x192xf32, #tpu.memory_space<vmem>> -> memref<256x192xf32, #tpu.memory_space<vmem>>
    %dma_wait3A_47 = arith.constant 0 : i32
    %dma_wait3A_48 = arith.constant 0 : i32
    %dma_wait3A_49 = tpu.memref_slice %arg5[%dma_wait3A_47, %dma_wait3A_48] : memref<819200x202xf32, #tpu.memory_space<hbm>> -> memref<256x192xf32, #tpu.memory_space<hbm>>
    tpu.wait_dma2 semaphore(%arg11 : memref<!tpu.dma_semaphore, #tpu.memory_space<semaphore_mem>>) src(%dma_wait3A_49 : memref<256x192xf32, #tpu.memory_space<hbm>>) dst(%dma_wait3A_46 : memref<256x192xf32, #tpu.memory_space<vmem>>)
    %dma_wait3A_50 = arith.constant 1 : i32
    %dma_wait3A_51 = arith.constant 0 : i32
    %dma_wait3A_52 = arith.constant 0 : i32
    %dma_wait3A_53 = tpu.memref_slice %arg8[%dma_wait3A_50, %dma_wait3A_51, %dma_wait3A_52] : memref<2x256x10xf32, #tpu.memory_space<vmem>> -> memref<1x256x10xf32, #tpu.memory_space<vmem>>
    %dma_wait3A_54 = tpu.memref_squeeze %dma_wait3A_53 : memref<1x256x10xf32, #tpu.memory_space<vmem>> -> memref<256x10xf32, #tpu.memory_space<vmem>>
    %dma_wait3A_55 = arith.constant 0 : i32
    %dma_wait3A_56 = arith.constant 192 : i32
    %dma_wait3A_57 = tpu.memref_slice %arg5[%dma_wait3A_55, %dma_wait3A_56] : memref<819200x202xf32, #tpu.memory_space<hbm>> -> memref<256x10xf32, #tpu.memory_space<hbm>>
    %dma_wait3A_58 = arith.constant 0 : i32
    %dma_wait3A_59 = arith.constant 0 : i32
    %dma_wait3A_60 = tpu.memref_slice %arg8[%dma_wait3A_50, %dma_wait3A_58, %dma_wait3A_59] : memref<2x256x10xf32, #tpu.memory_space<vmem>> -> memref<1x256x10xf32, #tpu.memory_space<vmem>>
    %dma_wait3A_61 = tpu.memref_squeeze %dma_wait3A_60 : memref<1x256x10xf32, #tpu.memory_space<vmem>> -> memref<256x10xf32, #tpu.memory_space<vmem>>
    %dma_wait3A_62 = arith.constant 0 : i32
    %dma_wait3A_63 = arith.constant 192 : i32
    %dma_wait3A_64 = tpu.memref_slice %arg5[%dma_wait3A_62, %dma_wait3A_63] : memref<819200x202xf32, #tpu.memory_space<hbm>> -> memref<256x10xf32, #tpu.memory_space<hbm>>
    tpu.wait_dma2 semaphore(%arg11 : memref<!tpu.dma_semaphore, #tpu.memory_space<semaphore_mem>>) src(%dma_wait3A_64 : memref<256x10xf32, #tpu.memory_space<hbm>>) dst(%dma_wait3A_61 : memref<256x10xf32, #tpu.memory_space<vmem>>)
    return
  }
}

</mosaic_0001>

<sc_bundles>
// kernel: _fused_embed.3.cloned.1.call-start
scs
__scs_entry_jumppad:
0x0: {  	(pc) =	sbr.rel $0x88, $3  }
0x1: {  	(tag) =	ssettag $0x0;
	lr =	simm.s32 $0x1  }
0x2: {  	[smem:$0x3F9E] =	sst lr;
	_ =	strace $0xD0000000  }
0x3: {  	_ = 	snop  }
0x4: {  	_ = 	snop  }
0x5: {  	_ = 	snop  }
0x6: {  	_ = 	snop  }
0x7: {  	_ = 	snop  }
__scs_overlays_trampoline_lowered:
0x8: {  	[smem:$0x3FAD] =	sst s0  }
0x9: {  	[smem:$0x3FAE] =	sst s1  }
0xa: {  	[smem:$0x3FAF] =	sst s2  }
0xb: {  	[smem:$0x3FB0] =	sst s3  }
0xc: {  	[smem:$0x3FB1] =	sst s4  }
0xd: {  	[smem:$0x3FB2] =	sst s5  }
0xe: {  	[smem:$0x3FB3] =	sst s6  }
0xf: {  	[smem:$0x3FB4] =	sst s7  }
0x10: {  	[smem:$0x3FB5] =	sst s8  }
0x11: {  	[smem:$0x3FB6] =	sst s9;
	s0 =	simm.s32 @!p0 $0x0  }
0x12: {  	s1 =	sld [smem:$0x3F9C];
	s0 =	simm.s32 @p0 $0x1  }
0x13: {  	[smem:$0x3FB7] =	sst s0;
	s0 =	simm.s32 @!p1 $0x0  }
0x14: {  	s2 =	sld [smem:$0x3F9B];
	s0 =	simm.s32 @p1 $0x1  }
0x15: {  	[smem:$0x3FB8] =	sst s0;
	s0 =	simm.s32 @!p2 $0x0  }
0x16: {  	s3 =	sld [smem:$0x3FDB];
	s0 =	simm.s32 @p2 $0x1  }
0x17: {  	s4 =	simm.s32 $0x1BF5;
	[smem:$0x3FBA] =	sst s0  }
0x18: {  	s0 =	sld [smem:$0x3F9D];
	_ =	swait.ge [sflag:s4], $0x0  }
0x19: {  	s7 =	sld [smem:$0x3F9E]  }
0x1a: {  	s8 =	sadd.s32 $0xFFFFE003, lr  }
0x1b: {  	s9 =	sadd.s32 $0xFFFFFEF7, lr;
	s5 =	simm.s32 $0xFFFFFFFF;
	p2 =	slt.u32 s8, $0xFFFFF086  }
0x1c: {  	p1 =	slt.u32 s9, $0xF7A;
	s5 =	simm.s32 @!p2 $0x0  }
0x1d: {  	s5 =	simm.s32 @p1 $0x1;
	p0 =	seq.s32 s7, s2  }
0x1e: {  	s7 =	smul.u32 @!p0 $0xF7A, s2;
	p2 =	seq.s32 @!p0 s5, $0x0  }
0x1f: {  	s9 =	smul.u32 $0xF7A, s1;
	s8 =	simm.s32 @!p0 $0x1BF5;
	p2 =	por !p2, p0  }
0x20: {  	[sflag:s8] =	ssyncset.s32 @!p0 $0xFFFFF086;
	s6 =	sadd.s32 @!p0 s3, s7;
	s7 =	simm.s32 @!p0 $0x108  }
0x21: {  	s3 =	sadd.s32 s3, s9;
	s6 =	sadd.s32 @!p0 $0x88, s6;
	s7 =	simm.s32 @p2 $0x1082  }
0x22: {  	[simem:s7], [sflag:s8] =	dma.local @!p0 [hbm:s6], $0xF7A  }
0x23: {  	s9 =	sor.u32 $0xD0000000, s2;
	s6 =	simm.s32 $0x108;
	_ =	swait.ge @!p0 [sflag:s8], $0x0  }
0x24: {  	s3 =	sadd.s32 $0x88, s3;
	s6 =	simm.s32 @!p1 $0x1082;
	[sflag:s4] =	ssyncset.s32 $0xFFFFF086  }
0x25: {  	[simem:s6], [sflag:s4] =	dma.local [hbm:s3], $0xF7A  }
0x26: {  	[smem:$0x3F9E] =	sst s1;
	(tag) =	ssettag s2;
	_ =	strace s9  }
0x27: {  	s1 =	sld [smem:$0x3FAE]  }
0x28: {  	s2 =	sld [smem:$0x3FAF]  }
0x29: {  	s4 =	sld [smem:$0x3FB1]  }
0x2a: {  	p0 =	seq.s32 s5, $0x0;
	s5 =	sld [smem:$0x3FB2]  }
0x2b: {  	s6 =	sld [smem:$0x3FB3]  }
0x2c: {  	s7 =	sld [smem:$0x3FB4]  }
0x2d: {  	s3 =	simm.s32 $0x108;
	s8 =	sld [smem:$0x3FB5]  }
0x2e: {  	s3 =	simm.s32 @!p0 $0x1082;
	s9 =	sld [smem:$0x3FB6]  }
0x2f: {  	lr =	sadd.s32 s0, s3;
	s0 =	sld [smem:$0x3FAD]  }
0x30: {  	s3 =	sld [smem:$0x3FB0]  }
0x31: {  	[smem:$0x3FB9] =	sst s10  }
0x32: {  	s10 =	sld [smem:$0x3FB7];
	_ =	sdelay $0x3  }
0x33: {  	p0 =	seq.s32 s10, $0x1;
	s10 =	sld [smem:$0x3FB9];
	_ =	sdelay $0x3  }
0x34: {  	[smem:$0x3FB9] =	sst s10  }
0x35: {  	s10 =	sld [smem:$0x3FB8];
	_ =	sdelay $0x3  }
0x36: {  	p1 =	seq.s32 s10, $0x1;
	s10 =	sld [smem:$0x3FB9];
	_ =	sdelay $0x3  }
0x37: {  	[smem:$0x3FB9] =	sst s10  }
0x38: {  	s10 =	sld [smem:$0x3FBA]  }
0x39: {  	_ = 	snop;
	(pc) =	sbr.ind lr, $3  }
0x3a: {  	_ = 	snop  }
0x3b: {  	_ = 	snop  }
0x3c: {  	p2 =	seq.s32 s10, $0x1;
	s10 =	sld [smem:$0x3FB9]  }
0x3d: {  	_ =	shalt  }
0x3e: {  	_ =	shalt  }
0x3f: {  	_ =	shalt  }
0x40: {  	_ =	shalt  }
0x41: {  	_ =	shalt  }
0x42: {  	_ =	shalt  }
0x43: {  	_ =	shalt  }
0x44: {  	_ =	shalt  }
0x45: {  	_ =	shalt  }
0x46: {  	_ =	shalt  }
0x47: {  	_ =	shalt  }
0x48: {  	_ =	shalt  }
0x49: {  	_ =	shalt  }
0x4a: {  	_ =	shalt  }
0x4b: {  	_ =	shalt  }
0x4c: {  	_ =	shalt  }
0x4d: {  	_ =	shalt  }
0x4e: {  	_ =	shalt  }
0x4f: {  	_ =	shalt  }
0x50: {  	_ =	shalt  }
0x51: {  	_ =	shalt  }
0x52: {  	_ =	shalt  }
0x53: {  	_ =	shalt  }
0x54: {  	_ =	shalt  }
0x55: {  	_ =	shalt  }
0x56: {  	_ =	shalt  }
0x57: {  	_ =	shalt  }
0x58: {  	_ =	shalt  }
0x59: {  	_ =	shalt  }
0x5a: {  	_ =	shalt  }
0x5b: {  	_ =	shalt  }
0x5c: {  	_ =	shalt  }
0x5d: {  	_ =	shalt  }
0x5e: {  	_ =	shalt  }
0x5f: {  	_ =	shalt  }
0x60: {  	_ =	shalt  }
0x61: {  	_ =	shalt  }
0x62: {  	_ =	shalt  }
0x63: {  	_ =	shalt  }
0x64: {  	_ =	shalt  }
0x65: {  	_ =	shalt  }
0x66: {  	_ =	shalt  }
0x67: {  	_ =	shalt  }
0x68: {  	_ =	shalt  }
0x69: {  	_ =	shalt  }
0x6a: {  	_ =	shalt  }
0x6b: {  	_ =	shalt  }
0x6c: {  	_ =	shalt  }
0x6d: {  	_ =	shalt  }
0x6e: {  	_ =	shalt  }
0x6f: {  	_ =	shalt  }
0x70: {  	_ =	shalt  }
0x71: {  	_ =	shalt  }
0x72: {  	_ =	shalt  }
0x73: {  	_ =	shalt  }
0x74: {  	_ =	shalt  }
0x75: {  	_ =	shalt  }
0x76: {  	_ =	shalt  }
0x77: {  	_ =	shalt  }
0x78: {  	_ =	shalt  }
0x79: {  	_ =	shalt  }
0x7a: {  	_ =	shalt  }
0x7b: {  	_ =	shalt  }
0x7c: {  	_ =	shalt  }
0x7d: {  	_ =	shalt  }
0x7e: {  	_ =	shalt  }
0x7f: {  	_ =	shalt  }
0x80: {  	_ =	shalt  }
0x81: {  	_ =	shalt  }
0x82: {  	_ =	shalt  }
0x83: {  	_ =	shalt  }
0x84: {  	_ =	shalt  }
0x85: {  	_ =	shalt  }
0x86: {  	_ =	shalt  }
0x87: {  	_ =	shalt  }
.Lfunc_end0:
.L_simem_size_0:
called_computation.1_lowered:
.L_overlay_start_0:
0x88: {  	s2 =	sld [smem:$0x3FD9]  }
0x89: {  	s3 =	sld [smem:$0x3FFE];
	_ =	sdelay $0x1  }
0x8a: {  	s1 =	srdreg.scid  }
0x8b: {  	s0 =	sand.u32 $0x1, s1  }
0x8c: {  	s17 =	sshll.u32 s0, $0xA;
	s2 =	sadd.s32 s3, s2  }
0x8d: {  	s2 =	sadd.s32 s2, s17  }
0x8e: {  	[smem:$0x3FC5] =	sst s2  }
0x8f: {  	_ = 	snop  }
0x90: {  	s2 =	sld [smem:$0x3FC9]  }
0x91: {  	s18 =	sld [smem:$0x3FD0];
	(tm) =	ssettm $0x1  }
0x92: {  	s4 =	sld [smem:$0x3FFB];
	_ =	sdelay $0x3  }
0x93: {  	_ =	strace s4  }
0x94: {  	s4 =	sld [smem:$0x3FFC];
	_ =	sdelay $0x3  }
0x95: {  	_ =	strace s4  }
0x96: {  	s4 =	sld [smem:$0x3FFD];
	_ =	sdelay $0x3  }
0x97: {  	_ =	strace s4  }
0x98: {  	_ =	strace $0x8FFFFFFF  }
0x99: {  	s19 =	sld [smem:$0x3FDB];
	_ =	sdelay $0x1  }
0x9a: {  	s5 =	simm.s32 $_scs_section_size  }
0x9b: {  	s6 =	simm.s32 $_size__tile_overlayer_lowered;
	s7 =	simm.s32 $_tile_overlayer_lowered  }
0x9c: {  	s22 =	simm.s32 $0x1BFF;
	s21 =	sshll.u32 s7, $0x1;
	s4 =	sadd.s32 s5, s19  }
0x9d: {  	s8 =	simm.s32 $0x0;
	s20 =	sshll.u32 s6, $0x1;
	s6 =	sadd.s32 s21, s4  }
0x9e: {  	[timem:s8], [sflag:s22] =	dma.local [hbm:s6], s20  }
0x9f: {  	_ =	swait.ge [sflag:s22], s20  }
0xa0: {  	s5 =	ssub.s32 $0x0, s20;
	[sflag:s22] =	ssyncset.done $0x0  }
0xa1: {  	[sflag:s22] =	ssyncadd.s32 s5;
	_ =	sdelay $0x1  }
0xa2: {  	s23 =	simm.s32 $0x1B8B  }
0xa3: {  	_ =	swait.ge [sflag:s23], $0x1  }
0xa4: {  	[sflag:s23] =	ssyncset.done $0x0  }
0xa5: {  	s25 =	simm.s32 $0x1B8E;
	s24 =	sld [smem:$0x3FFE];
	[sflag:s23] =	ssyncadd.s32 $0xFFFFFFFF  }
0xa6: {  	s26 =	simm.s32 $execute0_lowered;
	[smem:$0x3FD2] =	sst s25  }
0xa7: {  	s6 =	sshll.u32 s26, $0x1;
	_ =	strace $0x80000046;
	[dreg:$0x1] =	wrdreg $0xFFFFFFFF  }
0xa8: {  	s28 =	simm.s32 $_size_execute0_lowered;
	s4 =	sadd.s32 s4, s6;
	[dreg:$0x0] =	wrdreg $0x0  }
0xa9: {  	s6 =	sshll.u32 s28, $0x1;
	[dreg:$0x2] =	wrdreg s4  }
0xaa: {  	[dreg:$0x3] =	wrdreg s6  }
0xab: {  	[dreg:$0x4] =	wrdreg $0xC0  }
0xac: {  	_ =	task [dreg:s8], $0x5FFFF  }
0xad: {  	[dreg:$0x1] =	wrdreg $0xFFFFFFFF  }
0xae: {  	[dreg:$0x0] =	wrdreg $0x60  }
0xaf: {  	[dreg:$0x2] =	wrdreg s2  }
0xb0: {  	[dreg:$0x3] =	wrdreg s24  }
0xb1: {  	[dreg:$0x4] =	wrdreg s18  }
0xb2: {  	[dreg:$0x5] =	wrdreg $0x9  }
0xb3: {  	_ =	task.clear_ibuf [dreg:s8], $0x6FFFF;
	_ =	strace $0x90000046  }
0xb4: {  	s29 =	simm.s32 $0x9;
	_ =	strace $0x80000048  }
0xb5: {  	_ =	swait.ge [sflag:s29], $0x1  }
0xb6: {  	[sflag:s29] =	ssyncadd.s32 $0xFFFFFFFF  }
0xb7: {  	_ =	strace $0x90000048  }
0xb8: {  	_ =	sfence  }
0xb9: {  	s30 =	sld [smem:$0x0];
	_ =	sdelay $0x2  }
0xba: {  	s31 =	sshll.u32 s1, $0xD;
	s1 =	sshrl.u32 s1, $0x2  }
0xbb: {  	s3 =	sand.u32 $0x4000, s31;
	s1 =	sadd.s32 s1, s30  }
0xbc: {  	s0 =	sor.u32 s3, s0;
	s1 =	sshll.u32 s1, $0x11  }
0xbd: {  	s0 =	sor.u32 s1, s0  }
0xbe: {  	s0 =	sadd.s32 $0x8F2B, s0  }
0xbf: {  	[sflag:s0] =	ssyncadd.remote.s32 $0x1  }
0xc0: {  	_ =	sfence.sel $0xFFFF  }
0xc1: {  	[dreg:$0x0] =	wrdreg $0xFFFFFFFF;
	(pc) =	sbr.abs _section_cstart, $3  }
0xc2: {  	[dreg:$0x1] =	wrdreg $0xFFFFFFFF  }
0xc3: {  	_ =	task.clear_ibuf [dreg:s8], $0x2FFFF;
	_ =	strace $0x9FFFFFFF  }
0xc4: {  	(tm) =	ssettm $0x7FFFFFFF  }
0xc5: {  	_ =	shalt  }
tec
execute0_lowered:
.L_overlay_start_1:
0x0: {  	(tag) =	ssettag $0x1  }
0x1: {  	s0 =	rddreg [dreg:$0x0]  }
0x2: {  	s1 =	rddreg [dreg:$0x1]  }
0x3: {  	s5 =	rddreg [dreg:$0x2];
	s2 =	simm.s32 $0x0;
	s3 =	srdreg.scid  }
0x4: {  	s12 =	stileid.u32;
	s13 =	simm.s32 $0x18200;
	s14 =	simm.s32 $0x1  }
0x5: {  	s15 =	simm.s32 $0xC0;
	s16 =	simm.s32 $0xD0;
	s17 =	simm.s32 $0x10  }
0x6: {  	s18 =	simm.s32 $0x100;
	s19 =	simm.s32 $0xC200;
	s7 =	smul.u32 $0x145000, s12  }
0x7: {  	s20 =	simm.s32 $0x180;
	[smem:$0x7FF] =	sst s2;
	s8 =	smul.u32 $0xC800, s12  }
0x8: {  	s6 =	sand.u32 $0x1, s3;
	s9 =	sadd.s32 $0xC90A00, s1;
	s25 =	smul.u32 $0x19000, s12  }
0x9: {  	s3 =	sadd.s32 $0x800, s1;
	s12 =	simm.s32 $0x6200;
	s11 =	smul.u32 $0x6400, s6  }
0xa: {  	_ =	strace $0x80000047;
	s4 =	ssub.s32 $0x2, s6;
	s22 =	smul.u32 $0xA2800, s6  }
0xb: {  	s28 =	smul.u32 $0xC800, s6;
	s10 =	sshrl.u32 s4, $0x1;
	s23 =	sadd.s32 s7, s5  }
0xc: {  	s30 =	sadd.s32 s25, s9;
	s25 =	simm.s32 $0x0;
	s21 =	ssub.s32 s4, s10  }
0xd: {  	s8 =	sadd.s32 s11, s8;
	s7 =	sadd.s32 s28, s30;
	s10 =	simm.s32 $0x80  }
0xe: {  	s11 =	simm.s32 $0x200;
	s1 =	smax.u32 s21, $0x1;
	s24 =	sor.u32 $0x100, s8  }
0xf: {  	s31 =	sshrl.u32 s8, $0x3;
	s21 =	simm.s32 $0x12200;
	[dreg:$0x5] =	wrdreg s1  }
0x10: {  	s1 =	sadd.s32 s22, s23;
	s26 =	sshll.u32 s24, $0x1;
	s29 =	sshrl.u32 s24, $0x3  }
0x11: {  	s8 =	sadd.s32 s31, s0;
	s22 =	simm.s32 $0x19200;
	s23 =	simm.s32 $0x2  }
0x12: {  	s24 =	simm.s32 $0x3;
	[dreg:$0x4] =	wrdreg s1;
	s1 =	sadd.s32 s29, s0  }
0x13: {  	s5 =	sadd.s32 s26, s9;
	s9 =	simm.s32 $0x4;
	[dreg:$0x6] =	wrdreg s1  }
.LBB2_1:
0x14: {  	p0 =	por $0x1, $0x1  }
0x15: {  	s0 =	simm.s32 @!p0 $0x2  }
0x16: {  	_ =	swait.ge @!p0 [sflag:s0], $0xC000  }
0x17: {  	[sflag:s0] =	ssyncset.done @!p0 $0x0  }
0x18: {  	[sflag:s0] =	ssyncadd.s32 @!p0 $0xFFFF4000  }
0x19: {  	_ =	swait.ge @!p0 [sflag:s0], $0x1000  }
0x1a: {  	[sflag:s0] =	ssyncset.done @!p0 $0x0  }
0x1b: {  	[sflag:s0] =	ssyncadd.s32 @!p0 $0xFFFFF000  }
0x1c: {  	[tilespmem:s2], [sflag:$0x4] =	stream.linear.gather [hbm4b:s8+s2], $0x100, $0x38;
	[tilespmem:$0x1A200] =	vst v63  }
0x1d: {  	_ =	swait.ge [sflag:s9], $0x100  }
0x1e: {  	[sflag:s9] =	ssyncset.done $0x0  }
0x1f: {  	[sflag:s9] =	ssyncadd.s32 $0xFFFFFF00  }
0x20: {  	[tilespmem:s11], [sflag:$0x1] =	stream.indirect.gather [hbm4b:s3+s10], $0xC0, s2, s10, $0xb8;
	[tilespmem:$0x1A200] =	vst v63  }
0x21: {  	_ = 	snop  }
0x22: {  	[tilespmem:s12], [sflag:$0x1] =	stream.indirect.gather [hbm4b:s3+s10], $0xC0, s10, s10, $0xb8;
	[tilespmem:$0x1A200] =	vst v63  }
0x23: {  	_ = 	snop  }
0x24: {  	[tilespmem:s13], [sflag:$0x1] =	stream.linear.gather [hbm4b:s7+s2], $0x1000, $0x38;
	[tilespmem:$0x1A200] =	vst v63  }
0x25: {  	_ =	swait.ge [sflag:s14], $0x6000  }
0x26: {  	[sflag:s14] =	ssyncset.done $0x0  }
0x27: {  	[sflag:s14] =	ssyncadd.s32 $0xFFFFA000  }
0x28: {  	_ =	swait.ge [sflag:s14], $0x6000  }
0x29: {  	[sflag:s14] =	ssyncset.done $0x0  }
0x2a: {  	[sflag:s14] =	ssyncadd.s32 $0xFFFFA000  }
0x2b: {  	_ =	swait.ge [sflag:s14], $0x1000  }
0x2c: {  	s6 =	rddreg [dreg:$0x4];
	[sflag:s14] =	ssyncset.done $0x0  }
0x2d: {  	[sflag:s14] =	ssyncadd.s32 $0xFFFFF000;
	s1 =	sadd.s32 $0x0, s6  }
0x2e: {  	[hbm4b:s1+s15] =	stream.strided.scatter [tilespmem:s11], [sflag:$0x2], $0xC000, s16, s15, $0x38;
	[tilespmem:$0x1A200] =	vst v63  }
0x2f: {  	s26 =	simm.s32 @!p0 $0x3;
	s0 =	sadd.s32 $0x18, s1  }
0x30: {  	[hbm4b:s0+s17] =	stream.strided.scatter [tilespmem:s13], [sflag:$0x2], $0x1000, s16, s17, $0x38;
	[tilespmem:$0x1A200] =	vst v63  }
0x31: {  	_ =	swait.ge @!p0 [sflag:s26], $0xC000  }
0x32: {  	[sflag:s26] =	ssyncset.done @!p0 $0x0  }
0x33: {  	[sflag:s26] =	ssyncadd.s32 @!p0 $0xFFFF4000  }
0x34: {  	_ =	swait.ge @!p0 [sflag:s26], $0x1000  }
0x35: {  	[sflag:s26] =	ssyncset.done @!p0 $0x0  }
0x36: {  	s4 =	rddreg [dreg:$0x6];
	[sflag:s26] =	ssyncadd.s32 @!p0 $0xFFFFF000  }
0x37: {  	[tilespmem:s18], [sflag:$0x4] =	stream.linear.gather [hbm4b:s4+s2], $0x100, $0x38;
	[tilespmem:$0x1A200] =	vst v63  }
0x38: {  	_ =	swait.ge [sflag:s9], $0x100  }
0x39: {  	[sflag:s9] =	ssyncset.done $0x0  }
0x3a: {  	[sflag:s9] =	ssyncadd.s32 $0xFFFFFF00  }
0x3b: {  	[tilespmem:s19], [sflag:$0x1] =	stream.indirect.gather [hbm4b:s3+s10], $0xC0, s18, s10, $0xb8;
	[tilespmem:$0x1A200] =	vst v63  }
0x3c: {  	_ = 	snop  }
0x3d: {  	[tilespmem:s21], [sflag:$0x1] =	stream.indirect.gather [hbm4b:s3+s10], $0xC0, s20, s10, $0xb8;
	[tilespmem:$0x1A200] =	vst v63  }
0x3e: {  	_ = 	snop  }
0x3f: {  	[tilespmem:s22], [sflag:$0x1] =	stream.linear.gather [hbm4b:s5+s2], $0x1000, $0x38;
	[tilespmem:$0x1A200] =	vst v63  }
0x40: {  	_ =	swait.ge [sflag:s14], $0x6000  }
0x41: {  	[sflag:s14] =	ssyncset.done $0x0  }
0x42: {  	[sflag:s14] =	ssyncadd.s32 $0xFFFFA000  }
0x43: {  	_ =	swait.ge [sflag:s14], $0x6000  }
0x44: {  	[sflag:s14] =	ssyncset.done $0x0  }
0x45: {  	[sflag:s14] =	ssyncadd.s32 $0xFFFFA000  }
0x46: {  	s29 =	simm.s32 $0x3400;
	s30 =	sadd.s32 $0x400, s7;
	_ =	swait.ge [sflag:s14], $0x1000  }
0x47: {  	s31 =	sadd.s32 $0x40, s8;
	s0 =	simm.s32 $0x6800;
	[sflag:s14] =	ssyncset.done $0x0  }
0x48: {  	s26 =	sadd.s32 $0x1A00, s1;
	p0 =	por $0x0, $0x0;
	[sflag:s14] =	ssyncadd.s32 $0xFFFFF000  }
0x49: {  	[hbm4b:s26+s15] =	stream.strided.scatter [tilespmem:s19], [sflag:$0x3], $0xC000, s16, s15, $0x38;
	[tilespmem:$0x1A200] =	vst v63  }
0x4a: {  	s28 =	sadd.s32 $0x40, s4;
	s1 =	sadd.s32 $0x1A18, s1;
	s26 =	smov.u32 s5  }
.LBB2_2:
0x4b: {  	s4 =	simm.s32 @!p0 $0x2  }
0x4c: {  	[hbm4b:s1+s17] =	stream.strided.scatter [tilespmem:s22], [sflag:$0x3], $0x1000, s16, s17, $0x38;
	[tilespmem:$0x1A200] =	vst v63  }
0x4d: {  	_ =	swait.ge @!p0 [sflag:s4], $0xC000  }
0x4e: {  	[sflag:s4] =	ssyncset.done @!p0 $0x0  }
0x4f: {  	[sflag:s4] =	ssyncadd.s32 @!p0 $0xFFFF4000  }
0x50: {  	_ =	swait.ge @!p0 [sflag:s4], $0x1000  }
0x51: {  	[sflag:s4] =	ssyncset.done @!p0 $0x0  }
0x52: {  	[sflag:s4] =	ssyncadd.s32 @!p0 $0xFFFFF000  }
0x53: {  	[tilespmem:s2], [sflag:$0x4] =	stream.linear.gather [hbm4b:s31+s2], $0x100, $0x38;
	[tilespmem:$0x1A200] =	vst v63  }
0x54: {  	_ =	swait.ge [sflag:s9], $0x100  }
0x55: {  	[sflag:s9] =	ssyncset.done $0x0  }
0x56: {  	[sflag:s9] =	ssyncadd.s32 $0xFFFFFF00  }
0x57: {  	[tilespmem:s11], [sflag:$0x1] =	stream.indirect.gather [hbm4b:s3+s10], $0xC0, s2, s10, $0xb8;
	[tilespmem:$0x1A200] =	vst v63  }
0x58: {  	_ = 	snop  }
0x59: {  	[tilespmem:s12], [sflag:$0x1] =	stream.indirect.gather [hbm4b:s3+s10], $0xC0, s10, s10, $0xb8;
	[tilespmem:$0x1A200] =	vst v63  }
0x5a: {  	_ = 	snop  }
0x5b: {  	[tilespmem:s13], [sflag:$0x1] =	stream.linear.gather [hbm4b:s30+s2], $0x1000, $0x38;
	[tilespmem:$0x1A200] =	vst v63  }
0x5c: {  	_ =	swait.ge [sflag:s14], $0x6000  }
0x5d: {  	[sflag:s14] =	ssyncset.done $0x0  }
0x5e: {  	[sflag:s14] =	ssyncadd.s32 $0xFFFFA000  }
0x5f: {  	_ =	swait.ge [sflag:s14], $0x6000  }
0x60: {  	[sflag:s14] =	ssyncset.done $0x0  }
0x61: {  	[sflag:s14] =	ssyncadd.s32 $0xFFFFA000  }
0x62: {  	_ =	swait.ge [sflag:s14], $0x1000  }
0x63: {  	s4 =	rddreg [dreg:$0x4];
	[sflag:s14] =	ssyncset.done $0x0  }
0x64: {  	s6 =	smov.u32 s0;
	[sflag:s14] =	ssyncadd.s32 $0xFFFFF000;
	s1 =	sadd.s32 s29, s4  }
0x65: {  	[hbm4b:s1+s15] =	stream.strided.scatter [tilespmem:s11], [sflag:$0x2], $0xC000, s16, s15, $0x38;
	[tilespmem:$0x1A200] =	vst v63  }
0x66: {  	s29 =	smov.u32 s6;
	s6 =	simm.s32 @!p0 $0x3;
	s4 =	sadd.s32 $0x18, s1  }
0x67: {  	[hbm4b:s4+s17] =	stream.strided.scatter [tilespmem:s13], [sflag:$0x2], $0x1000, s16, s17, $0x38;
	[tilespmem:$0x1A200] =	vst v63  }
0x68: {  	_ =	swait.ge @!p0 [sflag:s6], $0xC000  }
0x69: {  	[sflag:s6] =	ssyncset.done @!p0 $0x0  }
0x6a: {  	[sflag:s6] =	ssyncadd.s32 @!p0 $0xFFFF4000  }
0x6b: {  	_ =	swait.ge @!p0 [sflag:s6], $0x1000  }
0x6c: {  	[sflag:s6] =	ssyncset.done @!p0 $0x0  }
0x6d: {  	[sflag:s6] =	ssyncadd.s32 @!p0 $0xFFFFF000  }
0x6e: {  	[tilespmem:s18], [sflag:$0x4] =	stream.linear.gather [hbm4b:s28+s2], $0x100, $0x38;
	[tilespmem:$0x1A200] =	vst v63  }
0x6f: {  	_ =	swait.ge [sflag:s9], $0x100  }
0x70: {  	[sflag:s9] =	ssyncset.done $0x0  }
0x71: {  	[sflag:s9] =	ssyncadd.s32 $0xFFFFFF00  }
0x72: {  	[tilespmem:s19], [sflag:$0x1] =	stream.indirect.gather [hbm4b:s3+s10], $0xC0, s18, s10, $0xb8;
	[tilespmem:$0x1A200] =	vst v63  }
0x73: {  	_ = 	snop  }
0x74: {  	[tilespmem:s21], [sflag:$0x1] =	stream.indirect.gather [hbm4b:s3+s10], $0xC0, s20, s10, $0xb8;
	[tilespmem:$0x1A200] =	vst v63  }
0x75: {  	s26 =	sadd.s32 $0x400, s26  }
0x76: {  	[tilespmem:s22], [sflag:$0x1] =	stream.linear.gather [hbm4b:s26+s2], $0x1000, $0x38;
	[tilespmem:$0x1A200] =	vst v63  }
0x77: {  	_ =	swait.ge [sflag:s14], $0x6000  }
0x78: {  	[sflag:s14] =	ssyncset.done $0x0  }
0x79: {  	[sflag:s14] =	ssyncadd.s32 $0xFFFFA000  }
0x7a: {  	s0 =	sadd.s32 $0x3400, s0;
	_ =	swait.ge [sflag:s14], $0x6000  }
0x7b: {  	p1 =	sne.s32 s0, $0xA2800;
	[sflag:s14] =	ssyncset.done $0x0  }
.Ltmp0:
0x7c: {  	[sflag:s14] =	ssyncadd.s32 $0xFFFFA000;
	(pc) =	sbr.rel @p1 .LBB2_2-.Ltmp0, $4  }
0x7d: {  	s31 =	sadd.s32 $0x40, s31;
	s30 =	sadd.s32 $0x400, s30;
	_ =	swait.ge [sflag:s14], $0x1000  }
0x7e: {  	p0 =	seq.s32 s29, $0x0;
	s6 =	sadd.s32 $0x1A00, s1;
	[sflag:s14] =	ssyncset.done $0x0  }
0x7f: {  	s1 =	sadd.s32 $0x1A18, s1;
	s28 =	sadd.s32 $0x40, s28;
	[sflag:s14] =	ssyncadd.s32 $0xFFFFF000  }
0x80: {  	[hbm4b:s6+s15] =	stream.strided.scatter [tilespmem:s19], [sflag:$0x3], $0xC000, s16, s15, $0x38;
	[tilespmem:$0x1A200] =	vst v63  }
0x81: {  	[hbm4b:s1+s17] =	stream.strided.scatter [tilespmem:s22], [sflag:$0x3], $0x1000, s16, s17, $0x38;
	[tilespmem:$0x1A200] =	vst v63  }
0x82: {  	s0 =	simm.s32 @!p0 $0x2  }
0x83: {  	_ =	swait.ge @!p0 [sflag:s0], $0xC000  }
0x84: {  	[sflag:s0] =	ssyncset.done @!p0 $0x0  }
0x85: {  	[sflag:s0] =	ssyncadd.s32 @!p0 $0xFFFF4000  }
0x86: {  	_ =	swait.ge @!p0 [sflag:s0], $0x1000  }
0x87: {  	[sflag:s0] =	ssyncset.done @!p0 $0x0  }
0x88: {  	[sflag:s0] =	ssyncadd.s32 @!p0 $0xFFFFF000  }
0x89: {  	[tilespmem:s2], [sflag:$0x4] =	stream.linear.gather [hbm4b:s31+s2], $0x100, $0x38;
	[tilespmem:$0x1A200] =	vst v63  }
0x8a: {  	_ =	swait.ge [sflag:s9], $0x100  }
0x8b: {  	[sflag:s9] =	ssyncset.done $0x0  }
0x8c: {  	[sflag:s9] =	ssyncadd.s32 $0xFFFFFF00  }
0x8d: {  	[tilespmem:s11], [sflag:$0x1] =	stream.indirect.gather [hbm4b:s3+s10], $0xC0, s2, s10, $0xb8;
	[tilespmem:$0x1A200] =	vst v63  }
0x8e: {  	_ = 	snop  }
0x8f: {  	[tilespmem:s12], [sflag:$0x1] =	stream.indirect.gather [hbm4b:s3+s10], $0xC0, s10, s10, $0xb8;
	[tilespmem:$0x1A200] =	vst v63  }
0x90: {  	_ = 	snop  }
0x91: {  	[tilespmem:s13], [sflag:$0x1] =	stream.linear.gather [hbm4b:s30+s2], $0x1000, $0x38;
	[tilespmem:$0x1A200] =	vst v63  }
0x92: {  	_ =	swait.ge [sflag:s14], $0x6000  }
0x93: {  	[sflag:s14] =	ssyncset.done $0x0  }
0x94: {  	[sflag:s14] =	ssyncadd.s32 $0xFFFFA000  }
0x95: {  	_ =	swait.ge [sflag:s14], $0x6000  }
0x96: {  	[sflag:s14] =	ssyncset.done $0x0  }
0x97: {  	[sflag:s14] =	ssyncadd.s32 $0xFFFFA000  }
0x98: {  	_ =	swait.ge [sflag:s14], $0x1000  }
0x99: {  	s4 =	rddreg [dreg:$0x4];
	[sflag:s14] =	ssyncset.done $0x0  }
0x9a: {  	[sflag:s14] =	ssyncadd.s32 $0xFFFFF000;
	s0 =	sadd.s32 s29, s4  }
0x9b: {  	[hbm4b:s0+s15] =	stream.strided.scatter [tilespmem:s11], [sflag:$0x2], $0xC000, s16, s15, $0x38;
	[tilespmem:$0x1A200] =	vst v63  }
0x9c: {  	s1 =	simm.s32 @!p0 $0x3;
	s6 =	sadd.s32 $0x18, s0  }
0x9d: {  	[hbm4b:s6+s17] =	stream.strided.scatter [tilespmem:s13], [sflag:$0x2], $0x1000, s16, s17, $0x38;
	[tilespmem:$0x1A200] =	vst v63  }
0x9e: {  	_ =	swait.ge @!p0 [sflag:s1], $0xC000  }
0x9f: {  	[sflag:s1] =	ssyncset.done @!p0 $0x0  }
0xa0: {  	[sflag:s1] =	ssyncadd.s32 @!p0 $0xFFFF4000  }
0xa1: {  	_ =	swait.ge @!p0 [sflag:s1], $0x1000  }
0xa2: {  	[sflag:s1] =	ssyncset.done @!p0 $0x0  }
0xa3: {  	[sflag:s1] =	ssyncadd.s32 @!p0 $0xFFFFF000  }
0xa4: {  	[tilespmem:s18], [sflag:$0x4] =	stream.linear.gather [hbm4b:s28+s2], $0x100, $0x38;
	[tilespmem:$0x1A200] =	vst v63  }
0xa5: {  	_ =	swait.ge [sflag:s9], $0x100  }
0xa6: {  	[sflag:s9] =	ssyncset.done $0x0  }
0xa7: {  	[sflag:s9] =	ssyncadd.s32 $0xFFFFFF00  }
0xa8: {  	[tilespmem:s19], [sflag:$0x1] =	stream.indirect.gather [hbm4b:s3+s10], $0xC0, s18, s10, $0xb8;
	[tilespmem:$0x1A200] =	vst v63  }
0xa9: {  	_ = 	snop  }
0xaa: {  	[tilespmem:s21], [sflag:$0x1] =	stream.indirect.gather [hbm4b:s3+s10], $0xC0, s20, s10, $0xb8;
	[tilespmem:$0x1A200] =	vst v63  }
0xab: {  	s29 =	sadd.s32 $0x400, s26  }
0xac: {  	[tilespmem:s22], [sflag:$0x1] =	stream.linear.gather [hbm4b:s29+s2], $0x1000, $0x38;
	[tilespmem:$0x1A200] =	vst v63  }
0xad: {  	_ =	swait.ge [sflag:s14], $0x6000  }
0xae: {  	[sflag:s14] =	ssyncset.done $0x0  }
0xaf: {  	[sflag:s14] =	ssyncadd.s32 $0xFFFFA000  }
0xb0: {  	_ =	swait.ge [sflag:s14], $0x6000  }
0xb1: {  	[sflag:s14] =	ssyncset.done $0x0  }
0xb2: {  	[sflag:s14] =	ssyncadd.s32 $0xFFFFA000  }
0xb3: {  	_ =	swait.ge [sflag:s14], $0x1000  }
0xb4: {  	[sflag:s14] =	ssyncset.done $0x0  }
0xb5: {  	s30 =	sadd.s32 $0x1A00, s0;
	[sflag:s14] =	ssyncadd.s32 $0xFFFFF000  }
0xb6: {  	[hbm4b:s30+s15] =	stream.strided.scatter [tilespmem:s19], [sflag:$0x3], $0xC000, s16, s15, $0x38;
	[tilespmem:$0x1A200] =	vst v63  }
0xb7: {  	s0 =	sadd.s32 $0x1A18, s0  }
0xb8: {  	[hbm4b:s0+s17] =	stream.strided.scatter [tilespmem:s22], [sflag:$0x3], $0x1000, s16, s17, $0x38;
	[tilespmem:$0x1A200] =	vst v63  }
0xb9: {  	_ =	swait.ge [sflag:s23], $0xC000  }
0xba: {  	[sflag:s23] =	ssyncset.done $0x0  }
0xbb: {  	[sflag:s23] =	ssyncadd.s32 $0xFFFF4000  }
0xbc: {  	_ =	swait.ge [sflag:s23], $0x1000  }
0xbd: {  	[sflag:s23] =	ssyncset.done $0x0  }
0xbe: {  	[sflag:s23] =	ssyncadd.s32 $0xFFFFF000  }
0xbf: {  	_ =	swait.ge [sflag:s24], $0xC000  }
0xc0: {  	[sflag:s24] =	ssyncset.done $0x0  }
0xc1: {  	[sflag:s24] =	ssyncadd.s32 $0xFFFF4000  }
0xc2: {  	_ =	swait.ge [sflag:s24], $0x1000  }
0xc3: {  	s25 =	sadd.s32 $0x1, s25;
	s31 =	rddreg [dreg:$0x5]  }
0xc4: {  	p0 =	sne.s32 s25, s31  }
.Ltmp1:
0xc5: {  	_ = 	snop;
	(pc) =	sbr.rel @p0 .LBB2_1-.Ltmp1, $3  }
0xc6: {  	_ =	sdelay $0x1  }
0xc7: {  	[sflag:s24] =	ssyncset.done $0x0  }
0xc8: {  	[sflag:s24] =	ssyncadd.s32 $0xFFFFF000  }
0xc9: {  	_ =	sfence.sel $0x180000  }
0xca: {  	[bflag:$0x0] =	sbarrier.arrive $0xFFFF  }
0xcb: {  	_ =	strace $0x90000047  }
0xcc: {  	s0 =	stileid.u32;
	[bflag:$0x2] =	sbarrier.arrive $0xFFFF  }
0xcd: {  	p0 =	sne.s32 s0, $0x0;
	s0 =	rddreg [dreg:$0x3]  }
0xce: {  	s0 =	sadd.s32 @!p0 $0x100000, s0  }
0xcf: {  	[sflag:s0] =	ssyncadd.tile.s32 @!p0 $0x1;
	_ =	shalt  }
.Lfunc_end2:
_tile_overlayer_lowered:
.L_overlay_start_2:
0xd0: {  	(tag) =	ssettag $0x2  }
0xd1: {  	s0 =	rddreg [dreg:$0x0];
	s2 =	stileid.u32  }
0xd2: {  	s1 =	rddreg [dreg:$0x1];
	p0 =	sne.s32 s2, $0x0  }
0xd3: {  	s3 =	rddreg [dreg:$0x2];
	[bflag:$0x3] =	sbarrier.arrive $0xFFFF;
	s2 =	simm.s32 @!p0 $0x1C04  }
0xd4: {  	[timem:s3], [sflag:s2] =	dma.local @!p0 [hbm:s0], s1  }
0xd5: {  	s0 =	simm.s32 @!p0 $0x4  }
0xd6: {  	_ =	swait.ge @!p0 [sflag:s0], s1  }
0xd7: {  	s1 =	ssub.s32 @!p0 $0x0, s1;
	[sflag:s0] =	ssyncset.done @!p0 $0x0  }
0xd8: {  	[sflag:s0] =	ssyncadd.s32 @!p0 s1  }
0xd9: {  	[bflag:$0x3] =	sbarrier.arrive $0xFFFF  }
0xda: {  	_ =	shalt  }

// kernel: sparse-core-data-format-call.cloned.1.call-start
scs
called_computation_lowered:
.L_overlay_start_0:
0x0: {  	s2 =	sld [smem:$0x3FD9]  }
0x1: {  	s3 =	sld [smem:$0x3FFE];
	_ =	sdelay $0x1  }
0x2: {  	s1 =	srdreg.scid  }
0x3: {  	s0 =	sand.u32 $0x1, s1  }
0x4: {  	s18 =	sshll.u32 s0, $0xA;
	s2 =	sadd.s32 s3, s2  }
0x5: {  	s2 =	sadd.s32 s2, s18  }
0x6: {  	[smem:$0x3FC5] =	sst s2  }
0x7: {  	_ = 	snop  }
0x8: {  	s2 =	sld [smem:$0x3FD0];
	(tm) =	ssettm $0x1  }
0x9: {  	s19 =	sld [smem:$0x3FFB];
	_ =	sdelay $0x3  }
0xa: {  	_ =	strace s19  }
0xb: {  	s3 =	sld [smem:$0x3FFC];
	_ =	sdelay $0x3  }
0xc: {  	_ =	strace s3  }
0xd: {  	s3 =	sld [smem:$0x3FFD];
	_ =	sdelay $0x3  }
0xe: {  	_ =	strace s3  }
0xf: {  	_ =	strace $0x8FFFFFFF  }
0x10: {  	s20 =	sld [smem:$0x3FDB];
	_ =	sdelay $0x1  }
0x11: {  	s4 =	simm.s32 $_scs_section_size  }
0x12: {  	s5 =	simm.s32 $_size__tile_overlayer_lowered;
	s6 =	simm.s32 $_tile_overlayer_lowered  }
0x13: {  	s23 =	simm.s32 $0x1BFF;
	s22 =	sshll.u32 s6, $0x1;
	s3 =	sadd.s32 s4, s20  }
0x14: {  	s7 =	simm.s32 $0x0;
	s21 =	sshll.u32 s5, $0x1;
	s5 =	sadd.s32 s22, s3  }
0x15: {  	[timem:s7], [sflag:s23] =	dma.local [hbm:s5], s21  }
0x16: {  	_ =	swait.ge [sflag:s23], s21  }
0x17: {  	s4 =	ssub.s32 $0x0, s21;
	[sflag:s23] =	ssyncset.done $0x0  }
0x18: {  	[sflag:s23] =	ssyncadd.s32 s4;
	_ =	sdelay $0x1  }
0x19: {  	s24 =	simm.s32 $0x1B8B  }
0x1a: {  	_ =	swait.ge [sflag:s24], $0x1  }
0x1b: {  	[sflag:s24] =	ssyncset.done $0x0  }
0x1c: {  	s26 =	simm.s32 $0x1B8E;
	s25 =	sld [smem:$0x3FFE];
	[sflag:s24] =	ssyncadd.s32 $0xFFFFFFFF  }
0x1d: {  	s27 =	simm.s32 $execute0_lowered;
	[smem:$0x3FD2] =	sst s26  }
0x1e: {  	s5 =	sshll.u32 s27, $0x1;
	_ =	strace $0x80000049;
	[dreg:$0x1] =	wrdreg $0xFFFFFFFF  }
0x1f: {  	s28 =	simm.s32 $_size_execute0_lowered;
	s3 =	sadd.s32 s3, s5;
	[dreg:$0x0] =	wrdreg $0x0  }
0x20: {  	s5 =	sshll.u32 s28, $0x1;
	[dreg:$0x2] =	wrdreg s3  }
0x21: {  	[dreg:$0x3] =	wrdreg s5  }
0x22: {  	[dreg:$0x4] =	wrdreg $0xC0  }
0x23: {  	_ =	task [dreg:s7], $0x5FFFF  }
0x24: {  	[dreg:$0x1] =	wrdreg $0xFFFFFFFF  }
0x25: {  	[dreg:$0x0] =	wrdreg $0x60  }
0x26: {  	[dreg:$0x2] =	wrdreg s25  }
0x27: {  	[dreg:$0x3] =	wrdreg s2  }
0x28: {  	[dreg:$0x4] =	wrdreg $0x9  }
0x29: {  	_ =	task.clear_ibuf [dreg:s7], $0x5FFFF;
	_ =	strace $0x90000049  }
0x2a: {  	s29 =	simm.s32 $0x9;
	_ =	strace $0x8000004B  }
0x2b: {  	_ =	swait.ge [sflag:s29], $0x1  }
0x2c: {  	[sflag:s29] =	ssyncadd.s32 $0xFFFFFFFF  }
0x2d: {  	_ =	strace $0x9000004B  }
0x2e: {  	_ =	sfence  }
0x2f: {  	s30 =	sld [smem:$0x0];
	_ =	sdelay $0x2  }
0x30: {  	s31 =	sshll.u32 s1, $0xD;
	s1 =	sshrl.u32 s1, $0x2  }
0x31: {  	s3 =	sand.u32 $0x4000, s31;
	s1 =	sadd.s32 s1, s30  }
0x32: {  	s0 =	sor.u32 s3, s0;
	s1 =	sshll.u32 s1, $0x11  }
0x33: {  	s0 =	sor.u32 s1, s0  }
0x34: {  	s0 =	sadd.s32 $0x8F2B, s0  }
0x35: {  	[sflag:s0] =	ssyncadd.remote.s32 $0x1  }
0x36: {  	_ =	sfence.sel $0xFFFF  }
0x37: {  	[dreg:$0x0] =	wrdreg $0xFFFFFFFF;
	(pc) =	sbr.abs _section_cstart, $3  }
0x38: {  	[dreg:$0x1] =	wrdreg $0xFFFFFFFF  }
0x39: {  	_ =	task.clear_ibuf [dreg:s7], $0x2FFFF;
	_ =	strace $0x9FFFFFFF  }
0x3a: {  	(tm) =	ssettm $0x7FFFFFFF  }
0x3b: {  	_ =	shalt  }
tec
execute0_lowered:
.L_overlay_start_1:
0x0: {  	(tag) =	ssettag $0x1  }
0x1: {  	s5 =	rddreg [dreg:$0x0]  }
0x2: {  	s0 =	srdreg.scid;
	s3 =	rddreg [dreg:$0x1];
	s7 =	simm.s32 $0x1  }
0x3: {  	s8 =	simm.s32 $0x2;
	s15 =	simm.s32 $0x0;
	s1 =	sshll.u32 s0, $0x4  }
0x4: {  	s14 =	simm.s32 $0x0;
	s0 =	stileid.u32;
	s1 =	sand.u32 $0x10, s1  }
0x5: {  	s9 =	simm.s32 $0x0;
	s10 =	simm.s32 $0x0;
	s1 =	sor.u32 s0, s1  }
0x6: {  	s11 =	simm.s32 $0x0;
	s13 =	simm.s32 $0x0;
	s2 =	sshll.u32 s1, $0x7  }
0x7: {  	s5 =	sadd.s32 $0x800, s5;
	s1 =	rddreg [dreg:$0x2];
	s6 =	ssub.s32 $0xC8000, s2  }
.Ltmp0:
0x8: {  	_ =	strace $0x8000004A;
	s4 =	sand.u32 $0xF80, s6;
	(pc) =	sbr.rel .LBB1_1-.Ltmp0, $4  }
0x9: {  	s12 =	smov.u32 s2;
	p0 =	sne.s32 s4, $0x0;
	s4 =	simm.s32 $0x1  }
0xa: {  	s6 =	sshrl.u32 s6, $0xC;
	s7 =	simm.s32 @!p0 $0x0;
	[sflag:s4] =	ssyncpa.u1 $0x0  }
0xb: {  	p0 =	por $0x0, $0x0;
	s7 =	sadd.s32 s7, s6;
	[sflag:s8] =	ssyncpa.u1 $0x0  }
0xc: {  	s8 =	simm.s32 $0x640000;
	s6 =	sshll.u32 s7, $0x1;
	s7 =	sshllo.u32 s7, $0x1  }
.LBB1_4:
0xd: {  	s21 =	sshrl.u32 s9, $0x3;
	s22 =	sshll.u32 s10, $0x3  }
0xe: {  	s20 =	sshra.s32 s20, $0x2;
	s23 =	sshll.u32 s9, $0x7;
	s24 =	sand.u32 $0x7F, s10  }
0xf: {  	p1 =	sgt.s32 s9, $0x50;
	s28 =	sshra.s32 s9, $0x1F;
	s21 =	smul.u32 $0x640000, s21  }
0x10: {  	s29 =	sshra.s32 s10, $0x1F;
	s22 =	sand.u32 $0xFFFFFC00, s22;
	s25 =	sand.u32 $0x380, s23  }
0x11: {  	s19 =	sadd.s32 s20, s19;
	s26 =	sor.u32 s24, s25;
	s21 =	sadd.s32 s22, s21  }
0x12: {  	v5 =	vld [tilespmem:s17+$0xFFFFFFD0];
	s27 =	smulhi.u32 $0x51EB851F, s21;
	s20 =	sor.u32 s21, s26;
	s21 =	smov.u32 s9  }
0x13: {  	[tilespmem:s18+$0x2040 ss:$0x81] =	vst.msk $0xffff, v4;
	v58 =	vld [tilespmem:s17+$0xFFFFFFE0];
	s23 =	sand.u32 s28, s9;
	s24 =	sand.u32 s29, s10;
	s21 =	simm.s32 @!p1 $0x50  }
0x14: {  	[tilespmem:s18+$0x2850 ss:$0x81] =	vst.msk $0xffff, v3;
	p1 =	sgt.s32 s10, $0xC7F80;
	s30 =	smulhi.u32 $0x51EB851F, s20;
	s22 =	sshrl.u32 s27, $0x12  }
0x15: {  	v59 =	vld [tilespmem:s17+$0xFFFFFFF0];
	[tilespmem:s18+$0x3060 ss:$0x81] =	vst.msk $0xffff, v2;
	s21 =	ssub.s32 s21, s23;
	s23 =	smov.u32 s10;
	s25 =	smul.u32 $0x2763, s22  }
0x16: {  	v60 =	vld [tilespmem:s17+$0x0];
	[tilespmem:s18+$0x0 ss:$0x81] =	vst.msk $0xffff, v0;
	s23 =	simm.s32 @!p1 $0xC7F80;
	s31 =	sadd.s32 $0xFFFFFFB0, s21;
	s18 =	sshrl.u32 s30, $0x12  }
0x17: {  	v61 =	vld [tilespmem:s17+$0x10];
	[tilespmem:s19+$0x3870 ss:$0x81] =	vst.msk $0xffff, v1;
	s23 =	ssub.s32 s23, s24;
	s28 =	smul.u32 $0xC8000, s18;
	s25 =	sshrl.u32 s25, $0x15  }
0x18: {  	v62 =	vld [tilespmem:s17+$0x20];
	[tilespmem:s19+$0x810 ss:$0x81] =	vst.msk $0xffff, v5;
	p1 =	sgt.s32 s31, $0x7F;
	s26 =	sadd.s32 $0xFFF38080, s23;
	s27 =	smul.u32 $0xD0, s25  }
0x19: {  	v63 =	vld [tilespmem:s17+$0xFFFFFFC0];
	[tilespmem:s19+$0x1020 ss:$0x81] =	vst.msk $0xffff, v58;
	s18 =	ssub.s32 $0xD0, s21;
	s21 =	ssub.s32 $0xC8000, s23;
	p2 =	sgt.s32 s26, $0x7F  }
0x1a: {  	[tilespmem:s19+$0x1830 ss:$0x81] =	vst.msk $0xffff, v59;
	s18 =	simm.s32 @p1 $0x0;
	s21 =	simm.s32 @p2 $0x0;
	s22 =	ssub.s32 s22, s27  }
0x1b: {  	[tilespmem:s19+$0x2040 ss:$0x81] =	vst.msk $0xffff, v60;
	s17 =	ssub.s32 s20, s28;
	s18 =	smul.u32 s21, s18;
	s29 =	sand.u32 $0xFFFF, s22  }
0x1c: {  	[tilespmem:s19+$0x2850 ss:$0x81] =	vst.msk $0xffff, v61;
	s30 =	sshrl.u32 s17, $0x3;
	s17 =	sand.u32 $0x7, s17;
	s20 =	smul.u32 $0x19000, s29  }
0x1d: {  	[tilespmem:s19+$0x3060 ss:$0x81] =	vst.msk $0xffff, v62;
	s21 =	sadd.s32 s3, s30;
	s17 =	sshll.u32 s17, $0x12  }
0x1e: {  	[tilespmem:s19+$0x0 ss:$0x81] =	vst.msk $0xffff, v63;
	s17 =	sor.u32 $0x400, s17;
	s18 =	sand.u32 $0x3FFFFFFF, s18;
	s31 =	sadd.s32 s20, s21  }
0x1f: {  	[hbm4b:s31+s17] =	stream.strided.scatter [tilespmem:s16], [sflag:$0x2], s18, s8, s17, $0x20;
	[tilespmem:$0x10100] =	vst v63  }
.LBB1_5:
0x20: {  	p1 =	slt.u32 s13, $0x2  }
0x21: {  	s17 =	smov.u32 s15;
	p2 =	sgt.s32 @!p1 s15, $0x50;
	s16 =	sshra.s32 @!p1 s15, $0x1F  }
0x22: {  	p3 =	sgt.s32 @!p1 s14, $0xC7F80;
	s18 =	sshra.s32 @!p1 s14, $0x1F;
	p2 =	por !p2, p1  }
0x23: {  	s15 =	sand.u32 @!p1 s16, s15;
	p3 =	por !p3, p1;
	s16 =	smov.u32 s14  }
0x24: {  	s14 =	sand.u32 @!p1 s18, s14;
	s17 =	simm.s32 @p2 $0x50;
	s16 =	simm.s32 @p3 $0xC7F80  }
0x25: {  	s15 =	ssub.s32 @!p1 s17, s15;
	s14 =	ssub.s32 @!p1 s16, s14  }
0x26: {  	s18 =	smov.u32 s12;
	s16 =	sadd.s32 @!p1 $0xFFFFFFB0, s15;
	s17 =	sadd.s32 @!p1 $0xFFF38080, s14  }
0x27: {  	s15 =	ssub.s32 @!p1 $0xD0, s15;
	p2 =	sgt.s32 @!p1 s16, $0x7F;
	p3 =	sgt.s32 @!p1 s17, $0x7F  }
0x28: {  	s14 =	ssub.s32 @!p1 $0xC8000, s14;
	p2 =	por !p2, p1;
	p3 =	por !p3, p1  }
0x29: {  	s16 =	sadd.s32 $0x80, s11;
	s15 =	simm.s32 @!p2 $0x0;
	s14 =	simm.s32 @!p3 $0x0  }
0x2a: {  	p2 =	sgt.s32 s16, $0xC9;
	s14 =	smul.u32 @!p1 s14, s15;
	s15 =	sadd.s32 $0x1000, s12  }
0x2b: {  	s18 =	smov.u32 @p2 s15  }
0x2c: {  	s16 =	simm.s32 @p2 $0x0;
	p2 =	sgt.s32 s18, $0xC7FFF  }
0x2d: {  	s18 =	smov.u32 @p2 s2;
	p2 =	sne.s32 s13, s7  }
.Ltmp1:
0x2e: {  	p0 =	por !p0, !p0;
	s17 =	simm.s32 @!p1 $0x2;
	(pc) =	sbr.rel @!p2 .LBB1_6-.Ltmp1, $4  }
0x2f: {  	s15 =	smov.u32 s9;
	s9 =	smov.u32 s11;
	s14 =	sand.u32 @!p1 $0x3FFFFFFF, s14  }
0x30: {  	s11 =	smov.u32 s16;
	_ =	swait.ge @!p1 [sflag:s17], s14;
	s19 =	ssub.s32 @!p1 $0x0, s14  }
0x31: {  	s14 =	smov.u32 s10;
	s13 =	sadd.s32 $0x1, s13;
	[sflag:s17] =	ssyncset.done @!p1 $0x0  }
0x32: {  	s10 =	smov.u32 s12;
	s12 =	smov.u32 s18;
	[sflag:s17] =	ssyncadd.s32 @!p1 s19  }
.LBB1_1:
0x33: {  	p1 =	sge.u32 s13, s6  }
0x34: {  	s16 =	sshll.u32 @!p1 s12, $0x8;
	s17 =	sshll.u32 @!p1 s11, $0x3  }
0x35: {  	s18 =	sshll.u32 @!p1 s12, $0x7;
	s16 =	sand.u32 @!p1 $0xFFFFF800, s16;
	s17 =	sand.u32 @!p1 $0xFFFFFC00, s17  }
0x36: {  	s16 =	sadd.s32 @!p1 s16, s17;
	s17 =	sand.u32 @!p1 $0x300, s18  }
0x37: {  	s16 =	sor.u32 @!p1 s17, s16  }
0x38: {  	s16 =	sshrl.u32 @!p1 s16, $0x8  }
0x39: {  	s17 =	smulhi.u32 @!p1 $0x147AE15, s16;
	_ =	sdelay $0x1  }
0x3a: {  	s19 =	sxor.u32 @!p1 $0xFFFFFFFF, s13;
	s20 =	sand.u32 @!p1 $0x78, s11;
	s17 =	sshrl.u32 @!p1 s17, $0xC  }
0x3b: {  	s19 =	sshll.u32 @!p1 s19, $0xE;
	s18 =	sand.u32 @!p1 $0x80, s18;
	s17 =	smul.u32 @!p1 $0xC8000, s17  }
0x3c: {  	s31 =	sadd.s32 $0xFFFFFFFF, s13;
	s19 =	sand.u32 @!p1 $0x4000, s19;
	s18 =	sor.u32 @!p1 s20, s18  }
0x3d: {  	s16 =	ssub.s32 @!p1 s16, s17;
	s17 =	sshrl.u32 @!p1 s18, $0x3;
	s18 =	sand.u32 @!p1 $0x7, s11  }
0x3e: {  	s16 =	sshll.u32 @!p1 s16, $0x5;
	s17 =	sadd.s32 @!p1 s5, s17;
	s18 =	sshll.u32 @!p1 s18, $0x12  }
0x3f: {  	s16 =	sadd.s32 @!p1 s16, s17;
	s17 =	sor.u32 @!p1 $0x400, s18;
	s18 =	simm.s32 @!p1 $0x800  }
0x40: {  	[tilespmem:s19], [sflag:$0x1] =	stream.strided.gather @!p1 [hbm4b:s16+s17], $0x4000, s18, s17, $0x38;
	[tilespmem:$0x10100] =	vst v63  }
0x41: {  	p1 =	sge.u32 s31, s6  }
.Ltmp2:
0x42: {  	_ = 	snop;
	(pc) =	sbr.rel @p1 .LBB1_5-.Ltmp2, $1  }
0x43: {  	_ =	sdelay $0x3  }
0x44: {  	s16 =	simm.s32 $0x1  }
0x45: {  	_ =	swait.ge [sflag:s4], $0x4000;
	s16 =	simm.s32 @!p0 $0x0  }
0x46: {  	[sflag:s4] =	ssyncset.done $0x0;
	s17 =	sshll.u32 s16, $0xE  }
0x47: {  	[sflag:s4] =	ssyncadd.s32 $0xFFFFC000;
	s17 =	sor.u32 $0x40, s17  }
0x48: {  	s16 =	smul.u32 $0x10200, s16;
	v0 =	vld [tilespmem:s17+$0x30]  }
0x49: {  	v1 =	vld [tilespmem:s17+$0xFFFFFFD0]  }
0x4a: {  	s16 =	sshrl.u32 s16, $0x2;
	v5 =	vld [tilespmem:s17+$0xFFFFFFE0]  }
0x4b: {  	v6 =	vld [tilespmem:s17+$0xFFFFFFF0];
	s19 =	sor.u32 $0x8000, s16  }
0x4c: {  	s31 =	sand.u32 $0x1, s13;
	v4 =	vld [tilespmem:s17+$0x0];
	s18 =	sadd.s32 $0x0, s19  }
0x4d: {  	v3 =	vld [tilespmem:s17+$0x10];
	s16 =	smul.u32 $0x10200, s31;
	[tilespmem:s18+$0x3870 ss:$0x81] =	vst.msk $0xffff, v0  }
0x4e: {  	v2 =	vld [tilespmem:s17+$0x20];
	[tilespmem:s18+$0x810 ss:$0x81] =	vst.msk $0xffff, v1  }
0x4f: {  	s16 =	sshrl.u32 s16, $0x2;
	v0 =	vld [tilespmem:s17+$0xFFFFFFC0];
	[tilespmem:s18+$0x1020 ss:$0x81] =	vst.msk $0xffff, v5;
	s17 =	sadd.s32 $0x80, s17  }
0x50: {  	s20 =	simm.s32 $0x4;
	s21 =	simm.s32 $0x8;
	s16 =	sor.u32 $0x8000, s16;
	[tilespmem:s18+$0x1830 ss:$0x81] =	vst.msk $0xffff, v6;
	v1 =	vld [tilespmem:s17+$0x30]  }
.LBB1_3:
0x51: {  	p1 =	sne.s32 s21, $0x1FC;
	v5 =	vld [tilespmem:s17+$0xFFFFFFD0];
	[tilespmem:s18+$0x2040 ss:$0x81] =	vst.msk $0xffff, v4  }
0x52: {  	v6 =	vld [tilespmem:s17+$0xFFFFFFE0];
	[tilespmem:s18+$0x2850 ss:$0x81] =	vst.msk $0xffff, v3  }
0x53: {  	s22 =	sshra.s32 s20, $0x2;
	s20 =	smov.u32 s21;
	v7 =	vld [tilespmem:s17+$0xFFFFFFF0];
	[tilespmem:s18+$0x3060 ss:$0x81] =	vst.msk $0xffff, v2  }
.Ltmp3:
0x54: {  	v4 =	vld [tilespmem:s17+$0x0];
	[tilespmem:s18+$0x0 ss:$0x81] =	vst.msk $0xffff, v0;
	s18 =	sadd.s32 s22, s19;
	(pc) =	sbr.rel @p1 .LBB1_3-.Ltmp3, $4  }
0x55: {  	v3 =	vld [tilespmem:s17+$0x10];
	[tilespmem:s18+$0x3870 ss:$0x81] =	vst.msk $0xffff, v1  }
0x56: {  	[tilespmem:s18+$0x810 ss:$0x81] =	vst.msk $0xffff, v5;
	v2 =	vld [tilespmem:s17+$0x20]  }
0x57: {  	v0 =	vld [tilespmem:s17+$0xFFFFFFC0];
	[tilespmem:s18+$0x1020 ss:$0x81] =	vst.msk $0xffff, v6;
	s17 =	sadd.s32 $0x80, s17  }
0x58: {  	s21 =	sadd.s32 $0x4, s21;
	v1 =	vld [tilespmem:s17+$0x30];
	[tilespmem:s18+$0x1830 ss:$0x81] =	vst.msk $0xffff, v7  }
.Ltmp4:
0x59: {  	_ = 	snop;
	(pc) =	sbr.rel .LBB1_4-.Ltmp4, $1  }
0x5a: {  	_ =	sdelay $0x3  }
.LBB1_6:
0x5b: {  	_ =	sfence.sel $0x180000  }
0x5c: {  	s2 =	simm.s32 $0x1;
	[bflag:$0x0] =	sbarrier.arrive $0xFFFF  }
0x5d: {  	s31 =	simm.s32 $0x2;
	[sflag:s2] =	ssyncpa.u1 $0x1  }
0x5e: {  	[sflag:s31] =	ssyncpa.u1 $0x1  }
0x5f: {  	p0 =	sne.s32 s0, $0x0;
	_ =	strace $0x9000004A  }
0x60: {  	s0 =	sadd.s32 @!p0 $0x100000, s1;
	[bflag:$0x2] =	sbarrier.arrive $0xFFFF  }
0x61: {  	[sflag:s0] =	ssyncadd.tile.s32 @!p0 $0x1;
	_ =	shalt  }
.Lfunc_end1:
_tile_overlayer_lowered:
.L_overlay_start_2:
0x62: {  	(tag) =	ssettag $0x2  }
0x63: {  	s0 =	rddreg [dreg:$0x0];
	s2 =	stileid.u32  }
0x64: {  	s1 =	rddreg [dreg:$0x1];
	p0 =	sne.s32 s2, $0x0  }
0x65: {  	s3 =	rddreg [dreg:$0x2];
	[bflag:$0x3] =	sbarrier.arrive $0xFFFF;
	s2 =	simm.s32 @!p0 $0x1C01  }
0x66: {  	[timem:s3], [sflag:s2] =	dma.local @!p0 [hbm:s0], s1  }
0x67: {  	s0 =	simm.s32 @!p0 $0x1  }
0x68: {  	_ =	swait.ge @!p0 [sflag:s0], s1  }
0x69: {  	s1 =	ssub.s32 @!p0 $0x0, s1;
	[sflag:s0] =	ssyncset.done @!p0 $0x0  }
0x6a: {  	[sflag:s0] =	ssyncadd.s32 @!p0 s1  }
0x6b: {  	[bflag:$0x3] =	sbarrier.arrive $0xFFFF  }
0x6c: {  	_ =	shalt  }

</sc_bundles>
